<compile_context>
chip_gen: v7x
topology: tpu7x:2x2x1
jax: 0.10.2.dev20260603
libtpu: 0.0.44.dev20260713+nightly
codegen_flags: <defaults>
</compile_context>

<pallas_src>
import functools

import jax
import jax.numpy as jnp
from jax import lax
from jax.experimental import pallas as pl
from jax.experimental.pallas import tpu as pltpu
from jax.experimental.pallas import tpu_sc as plsc

EMBED_DIM = 64
NUM_CORES = 2
NUM_SUBCORES = 16
NUM_WORKERS = NUM_CORES * NUM_SUBCORES
CW = 256
NBUF = 4
LOOKAHEAD = 3


@functools.partial(jax.jit, static_argnums=(2,))
def _sc_gather(idx_flat, table, n):
  per_w = n // NUM_WORKERS
  nchunk = per_w // CW
  mesh = plsc.VectorSubcoreMesh(
      core_axis_name="c", subcore_axis_name="s",
      num_cores=NUM_CORES, num_subcores=NUM_SUBCORES)

  @functools.partial(
      pl.kernel,
      out_type=jax.ShapeDtypeStruct((n, 2 * EMBED_DIM), jnp.float32),
      mesh=mesh,
      compiler_params=pltpu.CompilerParams(use_tc_tiling_on_sc=False),
      scratch_types=[
          pltpu.VMEM((per_w,), jnp.int32),
          pltpu.VMEM((NBUF, CW, EMBED_DIM), jnp.float32),
          pltpu.SemaphoreType.DMA((NBUF,)),
          pltpu.SemaphoreType.DMA((NBUF,)),
      ],
  )
  def k(idx_hbm, table_hbm, out_hbm, idx_v, rows_v, gsem, ssem):
    wid = lax.axis_index("s") * NUM_CORES + lax.axis_index("c")
    row0 = wid * per_w
    pltpu.sync_copy(idx_hbm.at[pl.ds(row0, per_w)], idx_v)

    def out_slab(j):
      return out_hbm.at[pl.ds(row0 + j * CW, CW), pl.ds(0, EMBED_DIM)]

    def fire_gather(j, slot):
      off = pl.multiple_of(j * CW, CW)
      pltpu.async_copy(table_hbm.at[idx_v.at[pl.ds(off, CW)]],
                       rows_v.at[slot], gsem.at[slot])

    for b in range(LOOKAHEAD):
      fire_gather(jnp.int32(b), b)

    ngroups = nchunk // NBUF

    def group(g, _):
      j0 = g * NBUF
      for u in range(NBUF):
        j = j0 + u
        pltpu.make_async_copy(table_hbm.at[idx_v.at[pl.ds(0, CW)]],
                              rows_v.at[u], gsem.at[u]).wait()
        pltpu.async_copy(rows_v.at[u], out_slab(j), ssem.at[u])
        nslot = (u + LOOKAHEAD) % NBUF
        jn = j + LOOKAHEAD
        jprev = jn - NBUF

        @pl.when(jn < nchunk)
        def _():
          @pl.when(jprev >= 0)
          def _():
            pltpu.make_async_copy(rows_v.at[nslot], out_slab(jprev),
                                  ssem.at[nslot]).wait()
          fire_gather(jn, nslot)
      return 0

    lax.fori_loop(0, ngroups, group, 0)

    for d in range(NBUF):
      j = nchunk - NBUF + d
      pltpu.make_async_copy(rows_v.at[j % NBUF], out_slab(jnp.int32(j)),
                            ssem.at[j % NBUF]).wait()

  return k(idx_flat, table)


def kernel(indices, feature_tensor):
  bsz, hlen = indices.shape
  idx_flat = indices.astype(jnp.int32).reshape(-1)
  out2 = _sc_gather(idx_flat, feature_tensor, bsz * hlen)
  return out2.reshape(bsz, hlen, 2 * EMBED_DIM)[:, :, :EMBED_DIM]

# --- scband reference (transcript-rebuilt; emitter-appended) ---
"""Pipeline reference for scband-static-feature-embedder-7756710937111 (READ-ONLY COPY).

The authoritative reference and input builder live on the scoring server;
editing this copy changes nothing except your own understanding.
"""

import jax, jax.numpy as jnp
import numpy as np

VOCAB = 1000000
EMBED_DIM = 64
BATCH = 4096
HIST_LEN = 200

def setup_inputs(seed: int = 0) -> dict:
    key = jax.random.key(seed)
    k1, k2 = jax.random.split(key)
    indices = jax.random.randint(k1, (BATCH, HIST_LEN), 0, VOCAB, dtype=jnp.int64 if jax.config.jax_enable_x64 else jnp.int32)
    feature_tensor = jax.random.normal(k2, (VOCAB, EMBED_DIM), dtype=jnp.float32)
    return {"indices": indices, "feature_tensor": feature_tensor}

def reference(indices, feature_tensor):
    # StaticFeatureEmbedder.forward: indices = node_seq[self.feature_field];
    # tensors = self.feature_tensor[indices]; return tensors
    # (the G graph argument is unused in the original forward)
    return jnp.take(feature_tensor, indices, axis=0)

if __name__ == "__main__":
    import jax
    _d = setup_inputs()
    print(jax.jit(kernel)(*tuple(_d.values())))

</pallas_src>

<mosaic_0001>
#map = affine_map<(d0, d1) -> (0)>
#map1 = affine_map<(d0, d1) -> (0, 0)>
module attributes {stable_mosaic.version = 14 : i64} {
  func.func @k(%arg0: i32, %arg1: i32, %arg2: memref<819200xi32, #tpu.memory_space<hbm>>, %arg3: memref<1000000x64xf32, #tpu.memory_space<hbm>>, %arg4: memref<819200x128xf32, #tpu.memory_space<hbm>>, %arg5: memref<25600xi32, #tpu.memory_space<vmem>>, %arg6: memref<4x256x64xf32, #tpu.memory_space<vmem>>, %arg7: memref<4x!tpu.dma_semaphore, #tpu.memory_space<semaphore_mem>>, %arg8: memref<4x!tpu.dma_semaphore, #tpu.memory_space<semaphore_mem>>) attributes {dimension_semantics = [#tpu.dimension_semantics<core_parallel>, #tpu.dimension_semantics<subcore_parallel>], iteration_bounds = array<i64: 2, 16>, scalar_prefetch = 0 : i64, scratch_operands = 4 : i64, tpu.core_type = #tpu.core_type<sc_vector_subcore>, window_params = [{transform_indices = #map}, {transform_indices = #map1}, {transform_indices = #map1}]} {
    %mul3A = arith.constant 2 : i32
    %mul3A_0 = arith.muli %arg1, %mul3A : i32
    %add3A = arith.addi %mul3A_0, %arg0 : i32
    %mul3A_1 = arith.constant 25600 : i32
    %mul3A_2 = arith.muli %add3A, %mul3A_1 : i32
    "tpu.region"() ({
      %run_scoped3A = tpu.sem_alloc : memref<!tpu.dma_semaphore, #tpu.memory_space<semaphore_mem>>
      %dma_start3A_134 = tpu.memref_slice %arg2[%mul3A_2] : memref<819200xi32, #tpu.memory_space<hbm>> -> memref<25600xi32, #tpu.memory_space<hbm>>
      %dma_start3A_135 = tpu.memref_slice %arg2[%mul3A_2] : memref<819200xi32, #tpu.memory_space<hbm>> -> memref<25600xi32, #tpu.memory_space<hbm>>
      tpu.enqueue_dma source(%dma_start3A_135 : memref<25600xi32, #tpu.memory_space<hbm>>) target(%arg5 : memref<25600xi32, #tpu.memory_space<vmem>>) target_semaphore(%run_scoped3A : memref<!tpu.dma_semaphore, #tpu.memory_space<semaphore_mem>>)
      %dma_wait3A_136 = tpu.memref_slice %arg2[%mul3A_2] : memref<819200xi32, #tpu.memory_space<hbm>> -> memref<25600xi32, #tpu.memory_space<hbm>>
      %dma_wait3A_137 = tpu.memref_slice %arg2[%mul3A_2] : memref<819200xi32, #tpu.memory_space<hbm>> -> memref<25600xi32, #tpu.memory_space<hbm>>
      tpu.wait_dma2 semaphore(%run_scoped3A : memref<!tpu.dma_semaphore, #tpu.memory_space<semaphore_mem>>) src(%dma_wait3A_137 : memref<25600xi32, #tpu.memory_space<hbm>>) dst(%arg5 : memref<25600xi32, #tpu.memory_space<vmem>>)
      tpu.yield
    }) : () -> ()
    %mul3A_3 = arith.constant 0 : i32
    %mul3A_4 = arith.constant 256 : i32
    %mul3A_5 = arith.muli %mul3A_3, %mul3A_4 : i32
    %multiple_of3A = tpu.assume_multiple %mul3A_5, 256 : i32
    %dma_start3A = arith.constant 0 : i32
    %dma_start3A_6 = arith.constant 0 : i32
    %dma_start3A_7 = arith.constant 0 : i32
    %dma_start3A_8 = arith.constant 0 : i32
    %dma_start3A_9 = tpu.memref_slice %arg6[%dma_start3A, %dma_start3A_7, %dma_start3A_8] : memref<4x256x64xf32, #tpu.memory_space<vmem>> -> memref<1x256x64xf32, #tpu.memory_space<vmem>>
    %dma_start3A_10 = tpu.memref_squeeze %dma_start3A_9 : memref<1x256x64xf32, #tpu.memory_space<vmem>> -> memref<256x64xf32, #tpu.memory_space<vmem>>
    %dma_start3A_11 = tpu.memref_slice %arg5[%multiple_of3A] : memref<25600xi32, #tpu.memory_space<vmem>> -> memref<256xi32, #tpu.memory_space<vmem>>
    %dma_start3A_12 = arith.constant 0 : i32
    %dma_start3A_13 = arith.constant 0 : i32
    %dma_start3A_14 = tpu.memref_slice %arg3[%dma_start3A_12, %dma_start3A_13] : memref<1000000x64xf32, #tpu.memory_space<hbm>> -> memref<1000000x64xf32, #tpu.memory_space<hbm>>
    %dma_start3A_15 = tpu.memref_slice %arg7[%dma_start3A_6] : memref<4x!tpu.dma_semaphore, #tpu.memory_space<semaphore_mem>> -> memref<1x!tpu.dma_semaphore, #tpu.memory_space<semaphore_mem>>
    %dma_start3A_16 = tpu.memref_squeeze %dma_start3A_15 : memref<1x!tpu.dma_semaphore, #tpu.memory_space<semaphore_mem>> -> memref<!tpu.dma_semaphore, #tpu.memory_space<semaphore_mem>>
    tpu.enqueue_indirect_dma source(%dma_start3A_14 : memref<1000000x64xf32, #tpu.memory_space<hbm>>) target(%dma_start3A_10 : memref<256x64xf32, #tpu.memory_space<vmem>>) offsets(%dma_start3A_11 : memref<256xi32, #tpu.memory_space<vmem>>) semaphore(%dma_start3A_16 : memref<!tpu.dma_semaphore, #tpu.memory_space<semaphore_mem>>)
    %mul3A_17 = arith.constant 1 : i32
    %mul3A_18 = arith.constant 256 : i32
    %mul3A_19 = arith.muli %mul3A_17, %mul3A_18 : i32
    %multiple_of3A_20 = tpu.assume_multiple %mul3A_19, 256 : i32
    %dma_start3A_21 = arith.constant 1 : i32
    %dma_start3A_22 = arith.constant 1 : i32
    %dma_start3A_23 = arith.constant 0 : i32
    %dma_start3A_24 = arith.constant 0 : i32
    %dma_start3A_25 = tpu.memref_slice %arg6[%dma_start3A_21, %dma_start3A_23, %dma_start3A_24] : memref<4x256x64xf32, #tpu.memory_space<vmem>> -> memref<1x256x64xf32, #tpu.memory_space<vmem>>
    %dma_start3A_26 = tpu.memref_squeeze %dma_start3A_25 : memref<1x256x64xf32, #tpu.memory_space<vmem>> -> memref<256x64xf32, #tpu.memory_space<vmem>>
    %dma_start3A_27 = tpu.memref_slice %arg5[%multiple_of3A_20] : memref<25600xi32, #tpu.memory_space<vmem>> -> memref<256xi32, #tpu.memory_space<vmem>>
    %dma_start3A_28 = arith.constant 0 : i32
    %dma_start3A_29 = arith.constant 0 : i32
    %dma_start3A_30 = tpu.memref_slice %arg3[%dma_start3A_28, %dma_start3A_29] : memref<1000000x64xf32, #tpu.memory_space<hbm>> -> memref<1000000x64xf32, #tpu.memory_space<hbm>>
    %dma_start3A_31 = tpu.memref_slice %arg7[%dma_start3A_22] : memref<4x!tpu.dma_semaphore, #tpu.memory_space<semaphore_mem>> -> memref<1x!tpu.dma_semaphore, #tpu.memory_space<semaphore_mem>>
    %dma_start3A_32 = tpu.memref_squeeze %dma_start3A_31 : memref<1x!tpu.dma_semaphore, #tpu.memory_space<semaphore_mem>> -> memref<!tpu.dma_semaphore, #tpu.memory_space<semaphore_mem>>
    tpu.enqueue_indirect_dma source(%dma_start3A_30 : memref<1000000x64xf32, #tpu.memory_space<hbm>>) target(%dma_start3A_26 : memref<256x64xf32, #tpu.memory_space<vmem>>) offsets(%dma_start3A_27 : memref<256xi32, #tpu.memory_space<vmem>>) semaphore(%dma_start3A_32 : memref<!tpu.dma_semaphore, #tpu.memory_space<semaphore_mem>>)
    %mul3A_33 = arith.constant 2 : i32
    %mul3A_34 = arith.constant 256 : i32
    %mul3A_35 = arith.muli %mul3A_33, %mul3A_34 : i32
    %multiple_of3A_36 = tpu.assume_multiple %mul3A_35, 256 : i32
    %dma_start3A_37 = arith.constant 2 : i32
    %dma_start3A_38 = arith.constant 2 : i32
    %dma_start3A_39 = arith.constant 0 : i32
    %dma_start3A_40 = arith.constant 0 : i32
    %dma_start3A_41 = tpu.memref_slice %arg6[%dma_start3A_37, %dma_start3A_39, %dma_start3A_40] : memref<4x256x64xf32, #tpu.memory_space<vmem>> -> memref<1x256x64xf32, #tpu.memory_space<vmem>>
    %dma_start3A_42 = tpu.memref_squeeze %dma_start3A_41 : memref<1x256x64xf32, #tpu.memory_space<vmem>> -> memref<256x64xf32, #tpu.memory_space<vmem>>
    %dma_start3A_43 = tpu.memref_slice %arg5[%multiple_of3A_36] : memref<25600xi32, #tpu.memory_space<vmem>> -> memref<256xi32, #tpu.memory_space<vmem>>
    %dma_start3A_44 = arith.constant 0 : i32
    %dma_start3A_45 = arith.constant 0 : i32
    %dma_start3A_46 = tpu.memref_slice %arg3[%dma_start3A_44, %dma_start3A_45] : memref<1000000x64xf32, #tpu.memory_space<hbm>> -> memref<1000000x64xf32, #tpu.memory_space<hbm>>
    %dma_start3A_47 = tpu.memref_slice %arg7[%dma_start3A_38] : memref<4x!tpu.dma_semaphore, #tpu.memory_space<semaphore_mem>> -> memref<1x!tpu.dma_semaphore, #tpu.memory_space<semaphore_mem>>
    %dma_start3A_48 = tpu.memref_squeeze %dma_start3A_47 : memref<1x!tpu.dma_semaphore, #tpu.memory_space<semaphore_mem>> -> memref<!tpu.dma_semaphore, #tpu.memory_space<semaphore_mem>>
    tpu.enqueue_indirect_dma source(%dma_start3A_46 : memref<1000000x64xf32, #tpu.memory_space<hbm>>) target(%dma_start3A_42 : memref<256x64xf32, #tpu.memory_space<vmem>>) offsets(%dma_start3A_43 : memref<256xi32, #tpu.memory_space<vmem>>) semaphore(%dma_start3A_48 : memref<!tpu.dma_semaphore, #tpu.memory_space<semaphore_mem>>)
    %scan3A = arith.constant 0 : i32
    %scan3A_49 = arith.constant 0 : i32
    %scan3A_50 = arith.constant 25 : i32
    %scan3A_51 = arith.addi %scan3A_49, %scan3A_50 : i32
    %scan3A_52 = arith.constant 1 : i32
    %scan3A_53 = scf.for %scan3A_134 = %scan3A_49 to %scan3A_51 step %scan3A_52 iter_args(%scan3A_135 = %scan3A) -> (i32)  : i32 {
      %mul3A_136 = arith.constant 4 : i32
      %mul3A_137 = arith.muli %scan3A_134, %mul3A_136 : i32
      %add3A_138 = arith.constant 0 : i32
      %add3A_139 = arith.addi %mul3A_137, %add3A_138 : i32
      %dma_wait3A_140 = arith.constant 0 : i32
      %dma_wait3A_141 = arith.constant 0 : i32
      %dma_wait3A_142 = arith.constant 0 : i32
      %dma_wait3A_143 = arith.constant 0 : i32
      %dma_wait3A_144 = tpu.memref_slice %arg6[%dma_wait3A_140, %dma_wait3A_142, %dma_wait3A_143] : memref<4x256x64xf32, #tpu.memory_space<vmem>> -> memref<1x256x64xf32, #tpu.memory_space<vmem>>
      %dma_wait3A_145 = tpu.memref_squeeze %dma_wait3A_144 : memref<1x256x64xf32, #tpu.memory_space<vmem>> -> memref<256x64xf32, #tpu.memory_space<vmem>>
      %dma_wait3A_146 = arith.constant 0 : i32
      %dma_wait3A_147 = tpu.memref_slice %arg5[%dma_wait3A_146] : memref<25600xi32, #tpu.memory_space<vmem>> -> memref<256xi32, #tpu.memory_space<vmem>>
      %dma_wait3A_148 = arith.constant 0 : i32
      %dma_wait3A_149 = arith.constant 0 : i32
      %dma_wait3A_150 = tpu.memref_slice %arg3[%dma_wait3A_148, %dma_wait3A_149] : memref<1000000x64xf32, #tpu.memory_space<hbm>> -> memref<1000000x64xf32, #tpu.memory_space<hbm>>
      %dma_wait3A_151 = tpu.memref_slice %arg7[%dma_wait3A_141] : memref<4x!tpu.dma_semaphore, #tpu.memory_space<semaphore_mem>> -> memref<1x!tpu.dma_semaphore, #tpu.memory_space<semaphore_mem>>
      %dma_wait3A_152 = tpu.memref_squeeze %dma_wait3A_151 : memref<1x!tpu.dma_semaphore, #tpu.memory_space<semaphore_mem>> -> memref<!tpu.dma_semaphore, #tpu.memory_space<semaphore_mem>>
      tpu.wait_indirect_dma semaphore(%dma_wait3A_152 : memref<!tpu.dma_semaphore, #tpu.memory_space<semaphore_mem>>) src(%dma_wait3A_150 : memref<1000000x64xf32, #tpu.memory_space<hbm>>) dst(%dma_wait3A_145 : memref<256x64xf32, #tpu.memory_space<vmem>>)
      %mul3A_153 = arith.constant 256 : i32
      %mul3A_154 = arith.muli %add3A_139, %mul3A_153 : i32
      %add3A_155 = arith.addi %mul3A_2, %mul3A_154 : i32
      %dma_start3A_156 = arith.constant 0 : i32
      %dma_start3A_157 = arith.constant 0 : i32
      %dma_start3A_158 = arith.constant 0 : i32
      %dma_start3A_159 = arith.constant 0 : i32
      %dma_start3A_160 = tpu.memref_slice %arg6[%dma_start3A_156, %dma_start3A_158, %dma_start3A_159] : memref<4x256x64xf32, #tpu.memory_space<vmem>> -> memref<1x256x64xf32, #tpu.memory_space<vmem>>
      %dma_start3A_161 = tpu.memref_squeeze %dma_start3A_160 : memref<1x256x64xf32, #tpu.memory_space<vmem>> -> memref<256x64xf32, #tpu.memory_space<vmem>>
      %dma_start3A_162 = arith.constant 0 : i32
      %dma_start3A_163 = tpu.memref_slice %arg4[%add3A_155, %dma_start3A_162] : memref<819200x128xf32, #tpu.memory_space<hbm>> -> memref<256x64xf32, #tpu.memory_space<hbm>>
      %dma_start3A_164 = tpu.memref_slice %arg8[%dma_start3A_157] : memref<4x!tpu.dma_semaphore, #tpu.memory_space<semaphore_mem>> -> memref<1x!tpu.dma_semaphore, #tpu.memory_space<semaphore_mem>>
      %dma_start3A_165 = tpu.memref_squeeze %dma_start3A_164 : memref<1x!tpu.dma_semaphore, #tpu.memory_space<semaphore_mem>> -> memref<!tpu.dma_semaphore, #tpu.memory_space<semaphore_mem>>
      %dma_start3A_166 = arith.constant 0 : i32
      %dma_start3A_167 = tpu.memref_slice %arg4[%add3A_155, %dma_start3A_166] : memref<819200x128xf32, #tpu.memory_space<hbm>> -> memref<256x64xf32, #tpu.memory_space<hbm>>
      %dma_start3A_168 = arith.constant 0 : i32
      %dma_start3A_169 = arith.constant 0 : i32
      %dma_start3A_170 = tpu.memref_slice %arg6[%dma_start3A_156, %dma_start3A_168, %dma_start3A_169] : memref<4x256x64xf32, #tpu.memory_space<vmem>> -> memref<1x256x64xf32, #tpu.memory_space<vmem>>
      %dma_start3A_171 = tpu.memref_squeeze %dma_start3A_170 : memref<1x256x64xf32, #tpu.memory_space<vmem>> -> memref<256x64xf32, #tpu.memory_space<vmem>>
      tpu.enqueue_dma source(%dma_start3A_171 : memref<256x64xf32, #tpu.memory_space<vmem>>) target(%dma_start3A_167 : memref<256x64xf32, #tpu.memory_space<hbm>>) target_semaphore(%dma_start3A_165 : memref<!tpu.dma_semaphore, #tpu.memory_space<semaphore_mem>>)
      %add3A_172 = arith.constant 3 : i32
      %add3A_173 = arith.addi %add3A_139, %add3A_172 : i32
      %sub3A = arith.constant 4 : i32
      %sub3A_174 = arith.subi %add3A_173, %sub3A : i32
      %lt3A = arith.constant 100 : i32
      %lt3A_175 = arith.cmpi slt, %add3A_173, %lt3A : i32
      %convert_element_type3A = arith.extui %lt3A_175 : i1 to i32
      %cond3A = arith.constant 0 : i32
      %cond3A_176 = arith.cmpi ne, %convert_element_type3A, %cond3A : i32
      scf.if %cond3A_176 {
        %ge3A = arith.constant 0 : i32
        %ge3A_307 = arith.cmpi sge, %sub3A_174, %ge3A : i32
        %convert_element_type3A_308 = arith.extui %ge3A_307 : i1 to i32
        %cond3A_309 = arith.constant 0 : i32
        %cond3A_310 = arith.cmpi ne, %convert_element_type3A_308, %cond3A_309 : i32
        scf.if %cond3A_310 {
          %mul3A_326 = arith.constant 256 : i32
          %mul3A_327 = arith.muli %sub3A_174, %mul3A_326 : i32
          %add3A_328 = arith.addi %mul3A_2, %mul3A_327 : i32
          %dma_wait3A_329 = arith.constant 3 : i32
          %dma_wait3A_330 = arith.constant 3 : i32
          %dma_wait3A_331 = arith.constant 0 : i32
          %dma_wait3A_332 = arith.constant 0 : i32
          %dma_wait3A_333 = tpu.memref_slice %arg6[%dma_wait3A_329, %dma_wait3A_331, %dma_wait3A_332] : memref<4x256x64xf32, #tpu.memory_space<vmem>> -> memref<1x256x64xf32, #tpu.memory_space<vmem>>
          %dma_wait3A_334 = tpu.memref_squeeze %dma_wait3A_333 : memref<1x256x64xf32, #tpu.memory_space<vmem>> -> memref<256x64xf32, #tpu.memory_space<vmem>>
          %dma_wait3A_335 = arith.constant 0 : i32
          %dma_wait3A_336 = tpu.memref_slice %arg4[%add3A_328, %dma_wait3A_335] : memref<819200x128xf32, #tpu.memory_space<hbm>> -> memref<256x64xf32, #tpu.memory_space<hbm>>
          %dma_wait3A_337 = tpu.memref_slice %arg8[%dma_wait3A_330] : memref<4x!tpu.dma_semaphore, #tpu.memory_space<semaphore_mem>> -> memref<1x!tpu.dma_semaphore, #tpu.memory_space<semaphore_mem>>
          %dma_wait3A_338 = tpu.memref_squeeze %dma_wait3A_337 : memref<1x!tpu.dma_semaphore, #tpu.memory_space<semaphore_mem>> -> memref<!tpu.dma_semaphore, #tpu.memory_space<semaphore_mem>>
          %dma_wait3A_339 = arith.constant 0 : i32
          %dma_wait3A_340 = tpu.memref_slice %arg4[%add3A_328, %dma_wait3A_339] : memref<819200x128xf32, #tpu.memory_space<hbm>> -> memref<256x64xf32, #tpu.memory_space<hbm>>
          %dma_wait3A_341 = arith.constant 0 : i32
          %dma_wait3A_342 = arith.constant 0 : i32
          %dma_wait3A_343 = tpu.memref_slice %arg6[%dma_wait3A_329, %dma_wait3A_341, %dma_wait3A_342] : memref<4x256x64xf32, #tpu.memory_space<vmem>> -> memref<1x256x64xf32, #tpu.memory_space<vmem>>
          %dma_wait3A_344 = tpu.memref_squeeze %dma_wait3A_343 : memref<1x256x64xf32, #tpu.memory_space<vmem>> -> memref<256x64xf32, #tpu.memory_space<vmem>>
          tpu.wait_dma2 semaphore(%dma_wait3A_338 : memref<!tpu.dma_semaphore, #tpu.memory_space<semaphore_mem>>) src(%dma_wait3A_344 : memref<256x64xf32, #tpu.memory_space<vmem>>) dst(%dma_wait3A_340 : memref<256x64xf32, #tpu.memory_space<hbm>>)
        } else {
        }
        %mul3A_311 = arith.constant 256 : i32
        %mul3A_312 = arith.muli %add3A_173, %mul3A_311 : i32
        %multiple_of3A_313 = tpu.assume_multiple %mul3A_312, 256 : i32
        %dma_start3A_314 = arith.constant 3 : i32
        %dma_start3A_315 = arith.constant 3 : i32
        %dma_start3A_316 = arith.constant 0 : i32
        %dma_start3A_317 = arith.constant 0 : i32
        %dma_start3A_318 = tpu.memref_slice %arg6[%dma_start3A_314, %dma_start3A_316, %dma_start3A_317] : memref<4x256x64xf32, #tpu.memory_space<vmem>> -> memref<1x256x64xf32, #tpu.memory_space<vmem>>
        %dma_start3A_319 = tpu.memref_squeeze %dma_start3A_318 : memref<1x256x64xf32, #tpu.memory_space<vmem>> -> memref<256x64xf32, #tpu.memory_space<vmem>>
        %dma_start3A_320 = tpu.memref_slice %arg5[%multiple_of3A_313] : memref<25600xi32, #tpu.memory_space<vmem>> -> memref<256xi32, #tpu.memory_space<vmem>>
        %dma_start3A_321 = arith.constant 0 : i32
        %dma_start3A_322 = arith.constant 0 : i32
        %dma_start3A_323 = tpu.memref_slice %arg3[%dma_start3A_321, %dma_start3A_322] : memref<1000000x64xf32, #tpu.memory_space<hbm>> -> memref<1000000x64xf32, #tpu.memory_space<hbm>>
        %dma_start3A_324 = tpu.memref_slice %arg7[%dma_start3A_315] : memref<4x!tpu.dma_semaphore, #tpu.memory_space<semaphore_mem>> -> memref<1x!tpu.dma_semaphore, #tpu.memory_space<semaphore_mem>>
        %dma_start3A_325 = tpu.memref_squeeze %dma_start3A_324 : memref<1x!tpu.dma_semaphore, #tpu.memory_space<semaphore_mem>> -> memref<!tpu.dma_semaphore, #tpu.memory_space<semaphore_mem>>
        tpu.enqueue_indirect_dma source(%dma_start3A_323 : memref<1000000x64xf32, #tpu.memory_space<hbm>>) target(%dma_start3A_319 : memref<256x64xf32, #tpu.memory_space<vmem>>) offsets(%dma_start3A_320 : memref<256xi32, #tpu.memory_space<vmem>>) semaphore(%dma_start3A_325 : memref<!tpu.dma_semaphore, #tpu.memory_space<semaphore_mem>>)
      } else {
      }
      %add3A_177 = arith.constant 1 : i32
      %add3A_178 = arith.addi %mul3A_137, %add3A_177 : i32
      %dma_wait3A_179 = arith.constant 1 : i32
      %dma_wait3A_180 = arith.constant 1 : i32
      %dma_wait3A_181 = arith.constant 0 : i32
      %dma_wait3A_182 = arith.constant 0 : i32
      %dma_wait3A_183 = tpu.memref_slice %arg6[%dma_wait3A_179, %dma_wait3A_181, %dma_wait3A_182] : memref<4x256x64xf32, #tpu.memory_space<vmem>> -> memref<1x256x64xf32, #tpu.memory_space<vmem>>
      %dma_wait3A_184 = tpu.memref_squeeze %dma_wait3A_183 : memref<1x256x64xf32, #tpu.memory_space<vmem>> -> memref<256x64xf32, #tpu.memory_space<vmem>>
      %dma_wait3A_185 = arith.constant 0 : i32
      %dma_wait3A_186 = tpu.memref_slice %arg5[%dma_wait3A_185] : memref<25600xi32, #tpu.memory_space<vmem>> -> memref<256xi32, #tpu.memory_space<vmem>>
      %dma_wait3A_187 = arith.constant 0 : i32
      %dma_wait3A_188 = arith.constant 0 : i32
      %dma_wait3A_189 = tpu.memref_slice %arg3[%dma_wait3A_187, %dma_wait3A_188] : memref<1000000x64xf32, #tpu.memory_space<hbm>> -> memref<1000000x64xf32, #tpu.memory_space<hbm>>
      %dma_wait3A_190 = tpu.memref_slice %arg7[%dma_wait3A_180] : memref<4x!tpu.dma_semaphore, #tpu.memory_space<semaphore_mem>> -> memref<1x!tpu.dma_semaphore, #tpu.memory_space<semaphore_mem>>
      %dma_wait3A_191 = tpu.memref_squeeze %dma_wait3A_190 : memref<1x!tpu.dma_semaphore, #tpu.memory_space<semaphore_mem>> -> memref<!tpu.dma_semaphore, #tpu.memory_space<semaphore_mem>>
      tpu.wait_indirect_dma semaphore(%dma_wait3A_191 : memref<!tpu.dma_semaphore, #tpu.memory_space<semaphore_mem>>) src(%dma_wait3A_189 : memref<1000000x64xf32, #tpu.memory_space<hbm>>) dst(%dma_wait3A_184 : memref<256x64xf32, #tpu.memory_space<vmem>>)
      %mul3A_192 = arith.constant 256 : i32
      %mul3A_193 = arith.muli %add3A_178, %mul3A_192 : i32
      %add3A_194 = arith.addi %mul3A_2, %mul3A_193 : i32
      %dma_start3A_195 = arith.constant 1 : i32
      %dma_start3A_196 = arith.constant 1 : i32
      %dma_start3A_197 = arith.constant 0 : i32
      %dma_start3A_198 = arith.constant 0 : i32
      %dma_start3A_199 = tpu.memref_slice %arg6[%dma_start3A_195, %dma_start3A_197, %dma_start3A_198] : memref<4x256x64xf32, #tpu.memory_space<vmem>> -> memref<1x256x64xf32, #tpu.memory_space<vmem>>
      %dma_start3A_200 = tpu.memref_squeeze %dma_start3A_199 : memref<1x256x64xf32, #tpu.memory_space<vmem>> -> memref<256x64xf32, #tpu.memory_space<vmem>>
      %dma_start3A_201 = arith.constant 0 : i32
      %dma_start3A_202 = tpu.memref_slice %arg4[%add3A_194, %dma_start3A_201] : memref<819200x128xf32, #tpu.memory_space<hbm>> -> memref<256x64xf32, #tpu.memory_space<hbm>>
      %dma_start3A_203 = tpu.memref_slice %arg8[%dma_start3A_196] : memref<4x!tpu.dma_semaphore, #tpu.memory_space<semaphore_mem>> -> memref<1x!tpu.dma_semaphore, #tpu.memory_space<semaphore_mem>>
      %dma_start3A_204 = tpu.memref_squeeze %dma_start3A_203 : memref<1x!tpu.dma_semaphore, #tpu.memory_space<semaphore_mem>> -> memref<!tpu.dma_semaphore, #tpu.memory_space<semaphore_mem>>
      %dma_start3A_205 = arith.constant 0 : i32
      %dma_start3A_206 = tpu.memref_slice %arg4[%add3A_194, %dma_start3A_205] : memref<819200x128xf32, #tpu.memory_space<hbm>> -> memref<256x64xf32, #tpu.memory_space<hbm>>
      %dma_start3A_207 = arith.constant 0 : i32
      %dma_start3A_208 = arith.constant 0 : i32
      %dma_start3A_209 = tpu.memref_slice %arg6[%dma_start3A_195, %dma_start3A_207, %dma_start3A_208] : memref<4x256x64xf32, #tpu.memory_space<vmem>> -> memref<1x256x64xf32, #tpu.memory_space<vmem>>
      %dma_start3A_210 = tpu.memref_squeeze %dma_start3A_209 : memref<1x256x64xf32, #tpu.memory_space<vmem>> -> memref<256x64xf32, #tpu.memory_space<vmem>>
      tpu.enqueue_dma source(%dma_start3A_210 : memref<256x64xf32, #tpu.memory_space<vmem>>) target(%dma_start3A_206 : memref<256x64xf32, #tpu.memory_space<hbm>>) target_semaphore(%dma_start3A_204 : memref<!tpu.dma_semaphore, #tpu.memory_space<semaphore_mem>>)
      %add3A_211 = arith.constant 3 : i32
      %add3A_212 = arith.addi %add3A_178, %add3A_211 : i32
      %sub3A_213 = arith.constant 4 : i32
      %sub3A_214 = arith.subi %add3A_212, %sub3A_213 : i32
      %lt3A_215 = arith.constant 100 : i32
      %lt3A_216 = arith.cmpi slt, %add3A_212, %lt3A_215 : i32
      %convert_element_type3A_217 = arith.extui %lt3A_216 : i1 to i32
      %cond3A_218 = arith.constant 0 : i32
      %cond3A_219 = arith.cmpi ne, %convert_element_type3A_217, %cond3A_218 : i32
      scf.if %cond3A_219 {
        %ge3A = arith.constant 0 : i32
        %ge3A_307 = arith.cmpi sge, %sub3A_214, %ge3A : i32
        %convert_element_type3A_308 = arith.extui %ge3A_307 : i1 to i32
        %cond3A_309 = arith.constant 0 : i32
        %cond3A_310 = arith.cmpi ne, %convert_element_type3A_308, %cond3A_309 : i32
        scf.if %cond3A_310 {
          %mul3A_326 = arith.constant 256 : i32
          %mul3A_327 = arith.muli %sub3A_214, %mul3A_326 : i32
          %add3A_328 = arith.addi %mul3A_2, %mul3A_327 : i32
          %dma_wait3A_329 = arith.constant 0 : i32
          %dma_wait3A_330 = arith.constant 0 : i32
          %dma_wait3A_331 = arith.constant 0 : i32
          %dma_wait3A_332 = arith.constant 0 : i32
          %dma_wait3A_333 = tpu.memref_slice %arg6[%dma_wait3A_329, %dma_wait3A_331, %dma_wait3A_332] : memref<4x256x64xf32, #tpu.memory_space<vmem>> -> memref<1x256x64xf32, #tpu.memory_space<vmem>>
          %dma_wait3A_334 = tpu.memref_squeeze %dma_wait3A_333 : memref<1x256x64xf32, #tpu.memory_space<vmem>> -> memref<256x64xf32, #tpu.memory_space<vmem>>
          %dma_wait3A_335 = arith.constant 0 : i32
          %dma_wait3A_336 = tpu.memref_slice %arg4[%add3A_328, %dma_wait3A_335] : memref<819200x128xf32, #tpu.memory_space<hbm>> -> memref<256x64xf32, #tpu.memory_space<hbm>>
          %dma_wait3A_337 = tpu.memref_slice %arg8[%dma_wait3A_330] : memref<4x!tpu.dma_semaphore, #tpu.memory_space<semaphore_mem>> -> memref<1x!tpu.dma_semaphore, #tpu.memory_space<semaphore_mem>>
          %dma_wait3A_338 = tpu.memref_squeeze %dma_wait3A_337 : memref<1x!tpu.dma_semaphore, #tpu.memory_space<semaphore_mem>> -> memref<!tpu.dma_semaphore, #tpu.memory_space<semaphore_mem>>
          %dma_wait3A_339 = arith.constant 0 : i32
          %dma_wait3A_340 = tpu.memref_slice %arg4[%add3A_328, %dma_wait3A_339] : memref<819200x128xf32, #tpu.memory_space<hbm>> -> memref<256x64xf32, #tpu.memory_space<hbm>>
          %dma_wait3A_341 = arith.constant 0 : i32
          %dma_wait3A_342 = arith.constant 0 : i32
          %dma_wait3A_343 = tpu.memref_slice %arg6[%dma_wait3A_329, %dma_wait3A_341, %dma_wait3A_342] : memref<4x256x64xf32, #tpu.memory_space<vmem>> -> memref<1x256x64xf32, #tpu.memory_space<vmem>>
          %dma_wait3A_344 = tpu.memref_squeeze %dma_wait3A_343 : memref<1x256x64xf32, #tpu.memory_space<vmem>> -> memref<256x64xf32, #tpu.memory_space<vmem>>
          tpu.wait_dma2 semaphore(%dma_wait3A_338 : memref<!tpu.dma_semaphore, #tpu.memory_space<semaphore_mem>>) src(%dma_wait3A_344 : memref<256x64xf32, #tpu.memory_space<vmem>>) dst(%dma_wait3A_340 : memref<256x64xf32, #tpu.memory_space<hbm>>)
        } else {
        }
        %mul3A_311 = arith.constant 256 : i32
        %mul3A_312 = arith.muli %add3A_212, %mul3A_311 : i32
        %multiple_of3A_313 = tpu.assume_multiple %mul3A_312, 256 : i32
        %dma_start3A_314 = arith.constant 0 : i32
        %dma_start3A_315 = arith.constant 0 : i32
        %dma_start3A_316 = arith.constant 0 : i32
        %dma_start3A_317 = arith.constant 0 : i32
        %dma_start3A_318 = tpu.memref_slice %arg6[%dma_start3A_314, %dma_start3A_316, %dma_start3A_317] : memref<4x256x64xf32, #tpu.memory_space<vmem>> -> memref<1x256x64xf32, #tpu.memory_space<vmem>>
        %dma_start3A_319 = tpu.memref_squeeze %dma_start3A_318 : memref<1x256x64xf32, #tpu.memory_space<vmem>> -> memref<256x64xf32, #tpu.memory_space<vmem>>
        %dma_start3A_320 = tpu.memref_slice %arg5[%multiple_of3A_313] : memref<25600xi32, #tpu.memory_space<vmem>> -> memref<256xi32, #tpu.memory_space<vmem>>
        %dma_start3A_321 = arith.constant 0 : i32
        %dma_start3A_322 = arith.constant 0 : i32
        %dma_start3A_323 = tpu.memref_slice %arg3[%dma_start3A_321, %dma_start3A_322] : memref<1000000x64xf32, #tpu.memory_space<hbm>> -> memref<1000000x64xf32, #tpu.memory_space<hbm>>
        %dma_start3A_324 = tpu.memref_slice %arg7[%dma_start3A_315] : memref<4x!tpu.dma_semaphore, #tpu.memory_space<semaphore_mem>> -> memref<1x!tpu.dma_semaphore, #tpu.memory_space<semaphore_mem>>
        %dma_start3A_325 = tpu.memref_squeeze %dma_start3A_324 : memref<1x!tpu.dma_semaphore, #tpu.memory_space<semaphore_mem>> -> memref<!tpu.dma_semaphore, #tpu.memory_space<semaphore_mem>>
        tpu.enqueue_indirect_dma source(%dma_start3A_323 : memref<1000000x64xf32, #tpu.memory_space<hbm>>) target(%dma_start3A_319 : memref<256x64xf32, #tpu.memory_space<vmem>>) offsets(%dma_start3A_320 : memref<256xi32, #tpu.memory_space<vmem>>) semaphore(%dma_start3A_325 : memref<!tpu.dma_semaphore, #tpu.memory_space<semaphore_mem>>)
      } else {
      }
      %add3A_220 = arith.constant 2 : i32
      %add3A_221 = arith.addi %mul3A_137, %add3A_220 : i32
      %dma_wait3A_222 = arith.constant 2 : i32
      %dma_wait3A_223 = arith.constant 2 : i32
      %dma_wait3A_224 = arith.constant 0 : i32
      %dma_wait3A_225 = arith.constant 0 : i32
      %dma_wait3A_226 = tpu.memref_slice %arg6[%dma_wait3A_222, %dma_wait3A_224, %dma_wait3A_225] : memref<4x256x64xf32, #tpu.memory_space<vmem>> -> memref<1x256x64xf32, #tpu.memory_space<vmem>>
      %dma_wait3A_227 = tpu.memref_squeeze %dma_wait3A_226 : memref<1x256x64xf32, #tpu.memory_space<vmem>> -> memref<256x64xf32, #tpu.memory_space<vmem>>
      %dma_wait3A_228 = arith.constant 0 : i32
      %dma_wait3A_229 = tpu.memref_slice %arg5[%dma_wait3A_228] : memref<25600xi32, #tpu.memory_space<vmem>> -> memref<256xi32, #tpu.memory_space<vmem>>
      %dma_wait3A_230 = arith.constant 0 : i32
      %dma_wait3A_231 = arith.constant 0 : i32
      %dma_wait3A_232 = tpu.memref_slice %arg3[%dma_wait3A_230, %dma_wait3A_231] : memref<1000000x64xf32, #tpu.memory_space<hbm>> -> memref<1000000x64xf32, #tpu.memory_space<hbm>>
      %dma_wait3A_233 = tpu.memref_slice %arg7[%dma_wait3A_223] : memref<4x!tpu.dma_semaphore, #tpu.memory_space<semaphore_mem>> -> memref<1x!tpu.dma_semaphore, #tpu.memory_space<semaphore_mem>>
      %dma_wait3A_234 = tpu.memref_squeeze %dma_wait3A_233 : memref<1x!tpu.dma_semaphore, #tpu.memory_space<semaphore_mem>> -> memref<!tpu.dma_semaphore, #tpu.memory_space<semaphore_mem>>
      tpu.wait_indirect_dma semaphore(%dma_wait3A_234 : memref<!tpu.dma_semaphore, #tpu.memory_space<semaphore_mem>>) src(%dma_wait3A_232 : memref<1000000x64xf32, #tpu.memory_space<hbm>>) dst(%dma_wait3A_227 : memref<256x64xf32, #tpu.memory_space<vmem>>)
      %mul3A_235 = arith.constant 256 : i32
      %mul3A_236 = arith.muli %add3A_221, %mul3A_235 : i32
      %add3A_237 = arith.addi %mul3A_2, %mul3A_236 : i32
      %dma_start3A_238 = arith.constant 2 : i32
      %dma_start3A_239 = arith.constant 2 : i32
      %dma_start3A_240 = arith.constant 0 : i32
      %dma_start3A_241 = arith.constant 0 : i32
      %dma_start3A_242 = tpu.memref_slice %arg6[%dma_start3A_238, %dma_start3A_240, %dma_start3A_241] : memref<4x256x64xf32, #tpu.memory_space<vmem>> -> memref<1x256x64xf32, #tpu.memory_space<vmem>>
      %dma_start3A_243 = tpu.memref_squeeze %dma_start3A_242 : memref<1x256x64xf32, #tpu.memory_space<vmem>> -> memref<256x64xf32, #tpu.memory_space<vmem>>
      %dma_start3A_244 = arith.constant 0 : i32
      %dma_start3A_245 = tpu.memref_slice %arg4[%add3A_237, %dma_start3A_244] : memref<819200x128xf32, #tpu.memory_space<hbm>> -> memref<256x64xf32, #tpu.memory_space<hbm>>
      %dma_start3A_246 = tpu.memref_slice %arg8[%dma_start3A_239] : memref<4x!tpu.dma_semaphore, #tpu.memory_space<semaphore_mem>> -> memref<1x!tpu.dma_semaphore, #tpu.memory_space<semaphore_mem>>
      %dma_start3A_247 = tpu.memref_squeeze %dma_start3A_246 : memref<1x!tpu.dma_semaphore, #tpu.memory_space<semaphore_mem>> -> memref<!tpu.dma_semaphore, #tpu.memory_space<semaphore_mem>>
      %dma_start3A_248 = arith.constant 0 : i32
      %dma_start3A_249 = tpu.memref_slice %arg4[%add3A_237, %dma_start3A_248] : memref<819200x128xf32, #tpu.memory_space<hbm>> -> memref<256x64xf32, #tpu.memory_space<hbm>>
      %dma_start3A_250 = arith.constant 0 : i32
      %dma_start3A_251 = arith.constant 0 : i32
      %dma_start3A_252 = tpu.memref_slice %arg6[%dma_start3A_238, %dma_start3A_250, %dma_start3A_251] : memref<4x256x64xf32, #tpu.memory_space<vmem>> -> memref<1x256x64xf32, #tpu.memory_space<vmem>>
      %dma_start3A_253 = tpu.memref_squeeze %dma_start3A_252 : memref<1x256x64xf32, #tpu.memory_space<vmem>> -> memref<256x64xf32, #tpu.memory_space<vmem>>
      tpu.enqueue_dma source(%dma_start3A_253 : memref<256x64xf32, #tpu.memory_space<vmem>>) target(%dma_start3A_249 : memref<256x64xf32, #tpu.memory_space<hbm>>) target_semaphore(%dma_start3A_247 : memref<!tpu.dma_semaphore, #tpu.memory_space<semaphore_mem>>)
      %add3A_254 = arith.constant 3 : i32
      %add3A_255 = arith.addi %add3A_221, %add3A_254 : i32
      %sub3A_256 = arith.constant 4 : i32
      %sub3A_257 = arith.subi %add3A_255, %sub3A_256 : i32
      %lt3A_258 = arith.constant 100 : i32
      %lt3A_259 = arith.cmpi slt, %add3A_255, %lt3A_258 : i32
      %convert_element_type3A_260 = arith.extui %lt3A_259 : i1 to i32
      %cond3A_261 = arith.constant 0 : i32
      %cond3A_262 = arith.cmpi ne, %convert_element_type3A_260, %cond3A_261 : i32
      scf.if %cond3A_262 {
        %ge3A = arith.constant 0 : i32
        %ge3A_307 = arith.cmpi sge, %sub3A_257, %ge3A : i32
        %convert_element_type3A_308 = arith.extui %ge3A_307 : i1 to i32
        %cond3A_309 = arith.constant 0 : i32
        %cond3A_310 = arith.cmpi ne, %convert_element_type3A_308, %cond3A_309 : i32
        scf.if %cond3A_310 {
          %mul3A_326 = arith.constant 256 : i32
          %mul3A_327 = arith.muli %sub3A_257, %mul3A_326 : i32
          %add3A_328 = arith.addi %mul3A_2, %mul3A_327 : i32
          %dma_wait3A_329 = arith.constant 1 : i32
          %dma_wait3A_330 = arith.constant 1 : i32
          %dma_wait3A_331 = arith.constant 0 : i32
          %dma_wait3A_332 = arith.constant 0 : i32
          %dma_wait3A_333 = tpu.memref_slice %arg6[%dma_wait3A_329, %dma_wait3A_331, %dma_wait3A_332] : memref<4x256x64xf32, #tpu.memory_space<vmem>> -> memref<1x256x64xf32, #tpu.memory_space<vmem>>
          %dma_wait3A_334 = tpu.memref_squeeze %dma_wait3A_333 : memref<1x256x64xf32, #tpu.memory_space<vmem>> -> memref<256x64xf32, #tpu.memory_space<vmem>>
          %dma_wait3A_335 = arith.constant 0 : i32
          %dma_wait3A_336 = tpu.memref_slice %arg4[%add3A_328, %dma_wait3A_335] : memref<819200x128xf32, #tpu.memory_space<hbm>> -> memref<256x64xf32, #tpu.memory_space<hbm>>
          %dma_wait3A_337 = tpu.memref_slice %arg8[%dma_wait3A_330] : memref<4x!tpu.dma_semaphore, #tpu.memory_space<semaphore_mem>> -> memref<1x!tpu.dma_semaphore, #tpu.memory_space<semaphore_mem>>
          %dma_wait3A_338 = tpu.memref_squeeze %dma_wait3A_337 : memref<1x!tpu.dma_semaphore, #tpu.memory_space<semaphore_mem>> -> memref<!tpu.dma_semaphore, #tpu.memory_space<semaphore_mem>>
          %dma_wait3A_339 = arith.constant 0 : i32
          %dma_wait3A_340 = tpu.memref_slice %arg4[%add3A_328, %dma_wait3A_339] : memref<819200x128xf32, #tpu.memory_space<hbm>> -> memref<256x64xf32, #tpu.memory_space<hbm>>
          %dma_wait3A_341 = arith.constant 0 : i32
          %dma_wait3A_342 = arith.constant 0 : i32
          %dma_wait3A_343 = tpu.memref_slice %arg6[%dma_wait3A_329, %dma_wait3A_341, %dma_wait3A_342] : memref<4x256x64xf32, #tpu.memory_space<vmem>> -> memref<1x256x64xf32, #tpu.memory_space<vmem>>
          %dma_wait3A_344 = tpu.memref_squeeze %dma_wait3A_343 : memref<1x256x64xf32, #tpu.memory_space<vmem>> -> memref<256x64xf32, #tpu.memory_space<vmem>>
          tpu.wait_dma2 semaphore(%dma_wait3A_338 : memref<!tpu.dma_semaphore, #tpu.memory_space<semaphore_mem>>) src(%dma_wait3A_344 : memref<256x64xf32, #tpu.memory_space<vmem>>) dst(%dma_wait3A_340 : memref<256x64xf32, #tpu.memory_space<hbm>>)
        } else {
        }
        %mul3A_311 = arith.constant 256 : i32
        %mul3A_312 = arith.muli %add3A_255, %mul3A_311 : i32
        %multiple_of3A_313 = tpu.assume_multiple %mul3A_312, 256 : i32
        %dma_start3A_314 = arith.constant 1 : i32
        %dma_start3A_315 = arith.constant 1 : i32
        %dma_start3A_316 = arith.constant 0 : i32
        %dma_start3A_317 = arith.constant 0 : i32
        %dma_start3A_318 = tpu.memref_slice %arg6[%dma_start3A_314, %dma_start3A_316, %dma_start3A_317] : memref<4x256x64xf32, #tpu.memory_space<vmem>> -> memref<1x256x64xf32, #tpu.memory_space<vmem>>
        %dma_start3A_319 = tpu.memref_squeeze %dma_start3A_318 : memref<1x256x64xf32, #tpu.memory_space<vmem>> -> memref<256x64xf32, #tpu.memory_space<vmem>>
        %dma_start3A_320 = tpu.memref_slice %arg5[%multiple_of3A_313] : memref<25600xi32, #tpu.memory_space<vmem>> -> memref<256xi32, #tpu.memory_space<vmem>>
        %dma_start3A_321 = arith.constant 0 : i32
        %dma_start3A_322 = arith.constant 0 : i32
        %dma_start3A_323 = tpu.memref_slice %arg3[%dma_start3A_321, %dma_start3A_322] : memref<1000000x64xf32, #tpu.memory_space<hbm>> -> memref<1000000x64xf32, #tpu.memory_space<hbm>>
        %dma_start3A_324 = tpu.memref_slice %arg7[%dma_start3A_315] : memref<4x!tpu.dma_semaphore, #tpu.memory_space<semaphore_mem>> -> memref<1x!tpu.dma_semaphore, #tpu.memory_space<semaphore_mem>>
        %dma_start3A_325 = tpu.memref_squeeze %dma_start3A_324 : memref<1x!tpu.dma_semaphore, #tpu.memory_space<semaphore_mem>> -> memref<!tpu.dma_semaphore, #tpu.memory_space<semaphore_mem>>
        tpu.enqueue_indirect_dma source(%dma_start3A_323 : memref<1000000x64xf32, #tpu.memory_space<hbm>>) target(%dma_start3A_319 : memref<256x64xf32, #tpu.memory_space<vmem>>) offsets(%dma_start3A_320 : memref<256xi32, #tpu.memory_space<vmem>>) semaphore(%dma_start3A_325 : memref<!tpu.dma_semaphore, #tpu.memory_space<semaphore_mem>>)
      } else {
      }
      %add3A_263 = arith.constant 3 : i32
      %add3A_264 = arith.addi %mul3A_137, %add3A_263 : i32
      %dma_wait3A_265 = arith.constant 3 : i32
      %dma_wait3A_266 = arith.constant 3 : i32
      %dma_wait3A_267 = arith.constant 0 : i32
      %dma_wait3A_268 = arith.constant 0 : i32
      %dma_wait3A_269 = tpu.memref_slice %arg6[%dma_wait3A_265, %dma_wait3A_267, %dma_wait3A_268] : memref<4x256x64xf32, #tpu.memory_space<vmem>> -> memref<1x256x64xf32, #tpu.memory_space<vmem>>
      %dma_wait3A_270 = tpu.memref_squeeze %dma_wait3A_269 : memref<1x256x64xf32, #tpu.memory_space<vmem>> -> memref<256x64xf32, #tpu.memory_space<vmem>>
      %dma_wait3A_271 = arith.constant 0 : i32
      %dma_wait3A_272 = tpu.memref_slice %arg5[%dma_wait3A_271] : memref<25600xi32, #tpu.memory_space<vmem>> -> memref<256xi32, #tpu.memory_space<vmem>>
      %dma_wait3A_273 = arith.constant 0 : i32
      %dma_wait3A_274 = arith.constant 0 : i32
      %dma_wait3A_275 = tpu.memref_slice %arg3[%dma_wait3A_273, %dma_wait3A_274] : memref<1000000x64xf32, #tpu.memory_space<hbm>> -> memref<1000000x64xf32, #tpu.memory_space<hbm>>
      %dma_wait3A_276 = tpu.memref_slice %arg7[%dma_wait3A_266] : memref<4x!tpu.dma_semaphore, #tpu.memory_space<semaphore_mem>> -> memref<1x!tpu.dma_semaphore, #tpu.memory_space<semaphore_mem>>
      %dma_wait3A_277 = tpu.memref_squeeze %dma_wait3A_276 : memref<1x!tpu.dma_semaphore, #tpu.memory_space<semaphore_mem>> -> memref<!tpu.dma_semaphore, #tpu.memory_space<semaphore_mem>>
      tpu.wait_indirect_dma semaphore(%dma_wait3A_277 : memref<!tpu.dma_semaphore, #tpu.memory_space<semaphore_mem>>) src(%dma_wait3A_275 : memref<1000000x64xf32, #tpu.memory_space<hbm>>) dst(%dma_wait3A_270 : memref<256x64xf32, #tpu.memory_space<vmem>>)
      %mul3A_278 = arith.constant 256 : i32
      %mul3A_279 = arith.muli %add3A_264, %mul3A_278 : i32
      %add3A_280 = arith.addi %mul3A_2, %mul3A_279 : i32
      %dma_start3A_281 = arith.constant 3 : i32
      %dma_start3A_282 = arith.constant 3 : i32
      %dma_start3A_283 = arith.constant 0 : i32
      %dma_start3A_284 = arith.constant 0 : i32
      %dma_start3A_285 = tpu.memref_slice %arg6[%dma_start3A_281, %dma_start3A_283, %dma_start3A_284] : memref<4x256x64xf32, #tpu.memory_space<vmem>> -> memref<1x256x64xf32, #tpu.memory_space<vmem>>
      %dma_start3A_286 = tpu.memref_squeeze %dma_start3A_285 : memref<1x256x64xf32, #tpu.memory_space<vmem>> -> memref<256x64xf32, #tpu.memory_space<vmem>>
      %dma_start3A_287 = arith.constant 0 : i32
      %dma_start3A_288 = tpu.memref_slice %arg4[%add3A_280, %dma_start3A_287] : memref<819200x128xf32, #tpu.memory_space<hbm>> -> memref<256x64xf32, #tpu.memory_space<hbm>>
      %dma_start3A_289 = tpu.memref_slice %arg8[%dma_start3A_282] : memref<4x!tpu.dma_semaphore, #tpu.memory_space<semaphore_mem>> -> memref<1x!tpu.dma_semaphore, #tpu.memory_space<semaphore_mem>>
      %dma_start3A_290 = tpu.memref_squeeze %dma_start3A_289 : memref<1x!tpu.dma_semaphore, #tpu.memory_space<semaphore_mem>> -> memref<!tpu.dma_semaphore, #tpu.memory_space<semaphore_mem>>
      %dma_start3A_291 = arith.constant 0 : i32
      %dma_start3A_292 = tpu.memref_slice %arg4[%add3A_280, %dma_start3A_291] : memref<819200x128xf32, #tpu.memory_space<hbm>> -> memref<256x64xf32, #tpu.memory_space<hbm>>
      %dma_start3A_293 = arith.constant 0 : i32
      %dma_start3A_294 = arith.constant 0 : i32
      %dma_start3A_295 = tpu.memref_slice %arg6[%dma_start3A_281, %dma_start3A_293, %dma_start3A_294] : memref<4x256x64xf32, #tpu.memory_space<vmem>> -> memref<1x256x64xf32, #tpu.memory_space<vmem>>
      %dma_start3A_296 = tpu.memref_squeeze %dma_start3A_295 : memref<1x256x64xf32, #tpu.memory_space<vmem>> -> memref<256x64xf32, #tpu.memory_space<vmem>>
      tpu.enqueue_dma source(%dma_start3A_296 : memref<256x64xf32, #tpu.memory_space<vmem>>) target(%dma_start3A_292 : memref<256x64xf32, #tpu.memory_space<hbm>>) target_semaphore(%dma_start3A_290 : memref<!tpu.dma_semaphore, #tpu.memory_space<semaphore_mem>>)
      %add3A_297 = arith.constant 3 : i32
      %add3A_298 = arith.addi %add3A_264, %add3A_297 : i32
      %sub3A_299 = arith.constant 4 : i32
      %sub3A_300 = arith.subi %add3A_298, %sub3A_299 : i32
      %lt3A_301 = arith.constant 100 : i32
      %lt3A_302 = arith.cmpi slt, %add3A_298, %lt3A_301 : i32
      %convert_element_type3A_303 = arith.extui %lt3A_302 : i1 to i32
      %cond3A_304 = arith.constant 0 : i32
      %cond3A_305 = arith.cmpi ne, %convert_element_type3A_303, %cond3A_304 : i32
      scf.if %cond3A_305 {
        %ge3A = arith.constant 0 : i32
        %ge3A_307 = arith.cmpi sge, %sub3A_300, %ge3A : i32
        %convert_element_type3A_308 = arith.extui %ge3A_307 : i1 to i32
        %cond3A_309 = arith.constant 0 : i32
        %cond3A_310 = arith.cmpi ne, %convert_element_type3A_308, %cond3A_309 : i32
        scf.if %cond3A_310 {
          %mul3A_326 = arith.constant 256 : i32
          %mul3A_327 = arith.muli %sub3A_300, %mul3A_326 : i32
          %add3A_328 = arith.addi %mul3A_2, %mul3A_327 : i32
          %dma_wait3A_329 = arith.constant 2 : i32
          %dma_wait3A_330 = arith.constant 2 : i32
          %dma_wait3A_331 = arith.constant 0 : i32
          %dma_wait3A_332 = arith.constant 0 : i32
          %dma_wait3A_333 = tpu.memref_slice %arg6[%dma_wait3A_329, %dma_wait3A_331, %dma_wait3A_332] : memref<4x256x64xf32, #tpu.memory_space<vmem>> -> memref<1x256x64xf32, #tpu.memory_space<vmem>>
          %dma_wait3A_334 = tpu.memref_squeeze %dma_wait3A_333 : memref<1x256x64xf32, #tpu.memory_space<vmem>> -> memref<256x64xf32, #tpu.memory_space<vmem>>
          %dma_wait3A_335 = arith.constant 0 : i32
          %dma_wait3A_336 = tpu.memref_slice %arg4[%add3A_328, %dma_wait3A_335] : memref<819200x128xf32, #tpu.memory_space<hbm>> -> memref<256x64xf32, #tpu.memory_space<hbm>>
          %dma_wait3A_337 = tpu.memref_slice %arg8[%dma_wait3A_330] : memref<4x!tpu.dma_semaphore, #tpu.memory_space<semaphore_mem>> -> memref<1x!tpu.dma_semaphore, #tpu.memory_space<semaphore_mem>>
          %dma_wait3A_338 = tpu.memref_squeeze %dma_wait3A_337 : memref<1x!tpu.dma_semaphore, #tpu.memory_space<semaphore_mem>> -> memref<!tpu.dma_semaphore, #tpu.memory_space<semaphore_mem>>
          %dma_wait3A_339 = arith.constant 0 : i32
          %dma_wait3A_340 = tpu.memref_slice %arg4[%add3A_328, %dma_wait3A_339] : memref<819200x128xf32, #tpu.memory_space<hbm>> -> memref<256x64xf32, #tpu.memory_space<hbm>>
          %dma_wait3A_341 = arith.constant 0 : i32
          %dma_wait3A_342 = arith.constant 0 : i32
          %dma_wait3A_343 = tpu.memref_slice %arg6[%dma_wait3A_329, %dma_wait3A_341, %dma_wait3A_342] : memref<4x256x64xf32, #tpu.memory_space<vmem>> -> memref<1x256x64xf32, #tpu.memory_space<vmem>>
          %dma_wait3A_344 = tpu.memref_squeeze %dma_wait3A_343 : memref<1x256x64xf32, #tpu.memory_space<vmem>> -> memref<256x64xf32, #tpu.memory_space<vmem>>
          tpu.wait_dma2 semaphore(%dma_wait3A_338 : memref<!tpu.dma_semaphore, #tpu.memory_space<semaphore_mem>>) src(%dma_wait3A_344 : memref<256x64xf32, #tpu.memory_space<vmem>>) dst(%dma_wait3A_340 : memref<256x64xf32, #tpu.memory_space<hbm>>)
        } else {
        }
        %mul3A_311 = arith.constant 256 : i32
        %mul3A_312 = arith.muli %add3A_298, %mul3A_311 : i32
        %multiple_of3A_313 = tpu.assume_multiple %mul3A_312, 256 : i32
        %dma_start3A_314 = arith.constant 2 : i32
        %dma_start3A_315 = arith.constant 2 : i32
        %dma_start3A_316 = arith.constant 0 : i32
        %dma_start3A_317 = arith.constant 0 : i32
        %dma_start3A_318 = tpu.memref_slice %arg6[%dma_start3A_314, %dma_start3A_316, %dma_start3A_317] : memref<4x256x64xf32, #tpu.memory_space<vmem>> -> memref<1x256x64xf32, #tpu.memory_space<vmem>>
        %dma_start3A_319 = tpu.memref_squeeze %dma_start3A_318 : memref<1x256x64xf32, #tpu.memory_space<vmem>> -> memref<256x64xf32, #tpu.memory_space<vmem>>
        %dma_start3A_320 = tpu.memref_slice %arg5[%multiple_of3A_313] : memref<25600xi32, #tpu.memory_space<vmem>> -> memref<256xi32, #tpu.memory_space<vmem>>
        %dma_start3A_321 = arith.constant 0 : i32
        %dma_start3A_322 = arith.constant 0 : i32
        %dma_start3A_323 = tpu.memref_slice %arg3[%dma_start3A_321, %dma_start3A_322] : memref<1000000x64xf32, #tpu.memory_space<hbm>> -> memref<1000000x64xf32, #tpu.memory_space<hbm>>
        %dma_start3A_324 = tpu.memref_slice %arg7[%dma_start3A_315] : memref<4x!tpu.dma_semaphore, #tpu.memory_space<semaphore_mem>> -> memref<1x!tpu.dma_semaphore, #tpu.memory_space<semaphore_mem>>
        %dma_start3A_325 = tpu.memref_squeeze %dma_start3A_324 : memref<1x!tpu.dma_semaphore, #tpu.memory_space<semaphore_mem>> -> memref<!tpu.dma_semaphore, #tpu.memory_space<semaphore_mem>>
        tpu.enqueue_indirect_dma source(%dma_start3A_323 : memref<1000000x64xf32, #tpu.memory_space<hbm>>) target(%dma_start3A_319 : memref<256x64xf32, #tpu.memory_space<vmem>>) offsets(%dma_start3A_320 : memref<256xi32, #tpu.memory_space<vmem>>) semaphore(%dma_start3A_325 : memref<!tpu.dma_semaphore, #tpu.memory_space<semaphore_mem>>)
      } else {
      }
      %scan3A_306 = arith.constant 0 : i32
      scf.yield %scan3A_306 : i32
    }
    %scan3A_54 = arith.constant 25 : i32
    %mul3A_55 = arith.constant 96 : i32
    %mul3A_56 = arith.constant 256 : i32
    %mul3A_57 = arith.muli %mul3A_55, %mul3A_56 : i32
    %add3A_58 = arith.addi %mul3A_2, %mul3A_57 : i32
    %dma_wait3A = arith.constant 0 : i32
    %dma_wait3A_59 = arith.constant 0 : i32
    %dma_wait3A_60 = arith.constant 0 : i32
    %dma_wait3A_61 = arith.constant 0 : i32
    %dma_wait3A_62 = tpu.memref_slice %arg6[%dma_wait3A, %dma_wait3A_60, %dma_wait3A_61] : memref<4x256x64xf32, #tpu.memory_space<vmem>> -> memref<1x256x64xf32, #tpu.memory_space<vmem>>
    %dma_wait3A_63 = tpu.memref_squeeze %dma_wait3A_62 : memref<1x256x64xf32, #tpu.memory_space<vmem>> -> memref<256x64xf32, #tpu.memory_space<vmem>>
    %dma_wait3A_64 = arith.constant 0 : i32
    %dma_wait3A_65 = tpu.memref_slice %arg4[%add3A_58, %dma_wait3A_64] : memref<819200x128xf32, #tpu.memory_space<hbm>> -> memref<256x64xf32, #tpu.memory_space<hbm>>
    %dma_wait3A_66 = tpu.memref_slice %arg8[%dma_wait3A_59] : memref<4x!tpu.dma_semaphore, #tpu.memory_space<semaphore_mem>> -> memref<1x!tpu.dma_semaphore, #tpu.memory_space<semaphore_mem>>
    %dma_wait3A_67 = tpu.memref_squeeze %dma_wait3A_66 : memref<1x!tpu.dma_semaphore, #tpu.memory_space<semaphore_mem>> -> memref<!tpu.dma_semaphore, #tpu.memory_space<semaphore_mem>>
    %dma_wait3A_68 = arith.constant 0 : i32
    %dma_wait3A_69 = tpu.memref_slice %arg4[%add3A_58, %dma_wait3A_68] : memref<819200x128xf32, #tpu.memory_space<hbm>> -> memref<256x64xf32, #tpu.memory_space<hbm>>
    %dma_wait3A_70 = arith.constant 0 : i32
    %dma_wait3A_71 = arith.constant 0 : i32
    %dma_wait3A_72 = tpu.memref_slice %arg6[%dma_wait3A, %dma_wait3A_70, %dma_wait3A_71] : memref<4x256x64xf32, #tpu.memory_space<vmem>> -> memref<1x256x64xf32, #tpu.memory_space<vmem>>
    %dma_wait3A_73 = tpu.memref_squeeze %dma_wait3A_72 : memref<1x256x64xf32, #tpu.memory_space<vmem>> -> memref<256x64xf32, #tpu.memory_space<vmem>>
    tpu.wait_dma2 semaphore(%dma_wait3A_67 : memref<!tpu.dma_semaphore, #tpu.memory_space<semaphore_mem>>) src(%dma_wait3A_73 : memref<256x64xf32, #tpu.memory_space<vmem>>) dst(%dma_wait3A_69 : memref<256x64xf32, #tpu.memory_space<hbm>>)
    %mul3A_74 = arith.constant 97 : i32
    %mul3A_75 = arith.constant 256 : i32
    %mul3A_76 = arith.muli %mul3A_74, %mul3A_75 : i32
    %add3A_77 = arith.addi %mul3A_2, %mul3A_76 : i32
    %dma_wait3A_78 = arith.constant 1 : i32
    %dma_wait3A_79 = arith.constant 1 : i32
    %dma_wait3A_80 = arith.constant 0 : i32
    %dma_wait3A_81 = arith.constant 0 : i32
    %dma_wait3A_82 = tpu.memref_slice %arg6[%dma_wait3A_78, %dma_wait3A_80, %dma_wait3A_81] : memref<4x256x64xf32, #tpu.memory_space<vmem>> -> memref<1x256x64xf32, #tpu.memory_space<vmem>>
    %dma_wait3A_83 = tpu.memref_squeeze %dma_wait3A_82 : memref<1x256x64xf32, #tpu.memory_space<vmem>> -> memref<256x64xf32, #tpu.memory_space<vmem>>
    %dma_wait3A_84 = arith.constant 0 : i32
    %dma_wait3A_85 = tpu.memref_slice %arg4[%add3A_77, %dma_wait3A_84] : memref<819200x128xf32, #tpu.memory_space<hbm>> -> memref<256x64xf32, #tpu.memory_space<hbm>>
    %dma_wait3A_86 = tpu.memref_slice %arg8[%dma_wait3A_79] : memref<4x!tpu.dma_semaphore, #tpu.memory_space<semaphore_mem>> -> memref<1x!tpu.dma_semaphore, #tpu.memory_space<semaphore_mem>>
    %dma_wait3A_87 = tpu.memref_squeeze %dma_wait3A_86 : memref<1x!tpu.dma_semaphore, #tpu.memory_space<semaphore_mem>> -> memref<!tpu.dma_semaphore, #tpu.memory_space<semaphore_mem>>
    %dma_wait3A_88 = arith.constant 0 : i32
    %dma_wait3A_89 = tpu.memref_slice %arg4[%add3A_77, %dma_wait3A_88] : memref<819200x128xf32, #tpu.memory_space<hbm>> -> memref<256x64xf32, #tpu.memory_space<hbm>>
    %dma_wait3A_90 = arith.constant 0 : i32
    %dma_wait3A_91 = arith.constant 0 : i32
    %dma_wait3A_92 = tpu.memref_slice %arg6[%dma_wait3A_78, %dma_wait3A_90, %dma_wait3A_91] : memref<4x256x64xf32, #tpu.memory_space<vmem>> -> memref<1x256x64xf32, #tpu.memory_space<vmem>>
    %dma_wait3A_93 = tpu.memref_squeeze %dma_wait3A_92 : memref<1x256x64xf32, #tpu.memory_space<vmem>> -> memref<256x64xf32, #tpu.memory_space<vmem>>
    tpu.wait_dma2 semaphore(%dma_wait3A_87 : memref<!tpu.dma_semaphore, #tpu.memory_space<semaphore_mem>>) src(%dma_wait3A_93 : memref<256x64xf32, #tpu.memory_space<vmem>>) dst(%dma_wait3A_89 : memref<256x64xf32, #tpu.memory_space<hbm>>)
    %mul3A_94 = arith.constant 98 : i32
    %mul3A_95 = arith.constant 256 : i32
    %mul3A_96 = arith.muli %mul3A_94, %mul3A_95 : i32
    %add3A_97 = arith.addi %mul3A_2, %mul3A_96 : i32
    %dma_wait3A_98 = arith.constant 2 : i32
    %dma_wait3A_99 = arith.constant 2 : i32
    %dma_wait3A_100 = arith.constant 0 : i32
    %dma_wait3A_101 = arith.constant 0 : i32
    %dma_wait3A_102 = tpu.memref_slice %arg6[%dma_wait3A_98, %dma_wait3A_100, %dma_wait3A_101] : memref<4x256x64xf32, #tpu.memory_space<vmem>> -> memref<1x256x64xf32, #tpu.memory_space<vmem>>
    %dma_wait3A_103 = tpu.memref_squeeze %dma_wait3A_102 : memref<1x256x64xf32, #tpu.memory_space<vmem>> -> memref<256x64xf32, #tpu.memory_space<vmem>>
    %dma_wait3A_104 = arith.constant 0 : i32
    %dma_wait3A_105 = tpu.memref_slice %arg4[%add3A_97, %dma_wait3A_104] : memref<819200x128xf32, #tpu.memory_space<hbm>> -> memref<256x64xf32, #tpu.memory_space<hbm>>
    %dma_wait3A_106 = tpu.memref_slice %arg8[%dma_wait3A_99] : memref<4x!tpu.dma_semaphore, #tpu.memory_space<semaphore_mem>> -> memref<1x!tpu.dma_semaphore, #tpu.memory_space<semaphore_mem>>
    %dma_wait3A_107 = tpu.memref_squeeze %dma_wait3A_106 : memref<1x!tpu.dma_semaphore, #tpu.memory_space<semaphore_mem>> -> memref<!tpu.dma_semaphore, #tpu.memory_space<semaphore_mem>>
    %dma_wait3A_108 = arith.constant 0 : i32
    %dma_wait3A_109 = tpu.memref_slice %arg4[%add3A_97, %dma_wait3A_108] : memref<819200x128xf32, #tpu.memory_space<hbm>> -> memref<256x64xf32, #tpu.memory_space<hbm>>
    %dma_wait3A_110 = arith.constant 0 : i32
    %dma_wait3A_111 = arith.constant 0 : i32
    %dma_wait3A_112 = tpu.memref_slice %arg6[%dma_wait3A_98, %dma_wait3A_110, %dma_wait3A_111] : memref<4x256x64xf32, #tpu.memory_space<vmem>> -> memref<1x256x64xf32, #tpu.memory_space<vmem>>
    %dma_wait3A_113 = tpu.memref_squeeze %dma_wait3A_112 : memref<1x256x64xf32, #tpu.memory_space<vmem>> -> memref<256x64xf32, #tpu.memory_space<vmem>>
    tpu.wait_dma2 semaphore(%dma_wait3A_107 : memref<!tpu.dma_semaphore, #tpu.memory_space<semaphore_mem>>) src(%dma_wait3A_113 : memref<256x64xf32, #tpu.memory_space<vmem>>) dst(%dma_wait3A_109 : memref<256x64xf32, #tpu.memory_space<hbm>>)
    %mul3A_114 = arith.constant 99 : i32
    %mul3A_115 = arith.constant 256 : i32
    %mul3A_116 = arith.muli %mul3A_114, %mul3A_115 : i32
    %add3A_117 = arith.addi %mul3A_2, %mul3A_116 : i32
    %dma_wait3A_118 = arith.constant 3 : i32
    %dma_wait3A_119 = arith.constant 3 : i32
    %dma_wait3A_120 = arith.constant 0 : i32
    %dma_wait3A_121 = arith.constant 0 : i32
    %dma_wait3A_122 = tpu.memref_slice %arg6[%dma_wait3A_118, %dma_wait3A_120, %dma_wait3A_121] : memref<4x256x64xf32, #tpu.memory_space<vmem>> -> memref<1x256x64xf32, #tpu.memory_space<vmem>>
    %dma_wait3A_123 = tpu.memref_squeeze %dma_wait3A_122 : memref<1x256x64xf32, #tpu.memory_space<vmem>> -> memref<256x64xf32, #tpu.memory_space<vmem>>
    %dma_wait3A_124 = arith.constant 0 : i32
    %dma_wait3A_125 = tpu.memref_slice %arg4[%add3A_117, %dma_wait3A_124] : memref<819200x128xf32, #tpu.memory_space<hbm>> -> memref<256x64xf32, #tpu.memory_space<hbm>>
    %dma_wait3A_126 = tpu.memref_slice %arg8[%dma_wait3A_119] : memref<4x!tpu.dma_semaphore, #tpu.memory_space<semaphore_mem>> -> memref<1x!tpu.dma_semaphore, #tpu.memory_space<semaphore_mem>>
    %dma_wait3A_127 = tpu.memref_squeeze %dma_wait3A_126 : memref<1x!tpu.dma_semaphore, #tpu.memory_space<semaphore_mem>> -> memref<!tpu.dma_semaphore, #tpu.memory_space<semaphore_mem>>
    %dma_wait3A_128 = arith.constant 0 : i32
    %dma_wait3A_129 = tpu.memref_slice %arg4[%add3A_117, %dma_wait3A_128] : memref<819200x128xf32, #tpu.memory_space<hbm>> -> memref<256x64xf32, #tpu.memory_space<hbm>>
    %dma_wait3A_130 = arith.constant 0 : i32
    %dma_wait3A_131 = arith.constant 0 : i32
    %dma_wait3A_132 = tpu.memref_slice %arg6[%dma_wait3A_118, %dma_wait3A_130, %dma_wait3A_131] : memref<4x256x64xf32, #tpu.memory_space<vmem>> -> memref<1x256x64xf32, #tpu.memory_space<vmem>>
    %dma_wait3A_133 = tpu.memref_squeeze %dma_wait3A_132 : memref<1x256x64xf32, #tpu.memory_space<vmem>> -> memref<256x64xf32, #tpu.memory_space<vmem>>
    tpu.wait_dma2 semaphore(%dma_wait3A_127 : memref<!tpu.dma_semaphore, #tpu.memory_space<semaphore_mem>>) src(%dma_wait3A_133 : memref<256x64xf32, #tpu.memory_space<vmem>>) dst(%dma_wait3A_129 : memref<256x64xf32, #tpu.memory_space<hbm>>)
    return
  }
}

</mosaic_0001>

<sc_bundles>
// kernel: _sc_gather.3.cloned.1.call-start
scs
__scs_entry_jumppad:
0x0: {  	(pc) =	sbr.rel $0x88, $3  }
0x1: {  	(tag) =	ssettag $0x0;
	lr =	simm.s32 $0x1  }
0x2: {  	[smem:$0x3F9F] =	sst lr;
	_ =	strace $0xD0000000  }
0x3: {  	_ = 	snop  }
0x4: {  	_ = 	snop  }
0x5: {  	_ = 	snop  }
0x6: {  	_ = 	snop  }
0x7: {  	_ = 	snop  }
__scs_overlays_trampoline_lowered:
0x8: {  	[smem:$0x3FAE] =	sst s0  }
0x9: {  	[smem:$0x3FAF] =	sst s1  }
0xa: {  	[smem:$0x3FB0] =	sst s2  }
0xb: {  	[smem:$0x3FB1] =	sst s3  }
0xc: {  	[smem:$0x3FB2] =	sst s4  }
0xd: {  	[smem:$0x3FB3] =	sst s5  }
0xe: {  	[smem:$0x3FB4] =	sst s6  }
0xf: {  	[smem:$0x3FB5] =	sst s7  }
0x10: {  	[smem:$0x3FB6] =	sst s8  }
0x11: {  	[smem:$0x3FB7] =	sst s9;
	s0 =	simm.s32 @!p0 $0x0  }
0x12: {  	s1 =	sld [smem:$0x3F9D];
	s0 =	simm.s32 @p0 $0x1  }
0x13: {  	[smem:$0x3FB8] =	sst s0;
	s0 =	simm.s32 @!p1 $0x0  }
0x14: {  	s2 =	sld [smem:$0x3F9C];
	s0 =	simm.s32 @p1 $0x1  }
0x15: {  	[smem:$0x3FB9] =	sst s0;
	s0 =	simm.s32 @!p2 $0x0  }
0x16: {  	s3 =	sld [smem:$0x3FDB];
	s0 =	simm.s32 @p2 $0x1  }
0x17: {  	s4 =	simm.s32 $0x1BF5;
	[smem:$0x3FBB] =	sst s0  }
0x18: {  	s0 =	sld [smem:$0x3F9E];
	_ =	swait.ge [sflag:s4], $0x0  }
0x19: {  	s7 =	sld [smem:$0x3F9F]  }
0x1a: {  	s8 =	sadd.s32 $0xFFFFE003, lr  }
0x1b: {  	s9 =	sadd.s32 $0xFFFFFEF7, lr;
	s5 =	simm.s32 $0xFFFFFFFF;
	p2 =	slt.u32 s8, $0xFFFFF086  }
0x1c: {  	p1 =	slt.u32 s9, $0xF7A;
	s5 =	simm.s32 @!p2 $0x0  }
0x1d: {  	s5 =	simm.s32 @p1 $0x1;
	p0 =	seq.s32 s7, s2  }
0x1e: {  	s7 =	smul.u32 @!p0 $0xF7A, s2;
	p2 =	seq.s32 @!p0 s5, $0x0  }
0x1f: {  	s9 =	smul.u32 $0xF7A, s1;
	s8 =	simm.s32 @!p0 $0x1BF5;
	p2 =	por !p2, p0  }
0x20: {  	[sflag:s8] =	ssyncset.s32 @!p0 $0xFFFFF086;
	s6 =	sadd.s32 @!p0 s3, s7;
	s7 =	simm.s32 @!p0 $0x108  }
0x21: {  	s3 =	sadd.s32 s3, s9;
	s6 =	sadd.s32 @!p0 $0x88, s6;
	s7 =	simm.s32 @p2 $0x1082  }
0x22: {  	[simem:s7], [sflag:s8] =	dma.local @!p0 [hbm:s6], $0xF7A  }
0x23: {  	s9 =	sor.u32 $0xD0000000, s2;
	s6 =	simm.s32 $0x108;
	_ =	swait.ge @!p0 [sflag:s8], $0x0  }
0x24: {  	s3 =	sadd.s32 $0x88, s3;
	s6 =	simm.s32 @!p1 $0x1082;
	[sflag:s4] =	ssyncset.s32 $0xFFFFF086  }
0x25: {  	[simem:s6], [sflag:s4] =	dma.local [hbm:s3], $0xF7A  }
0x26: {  	[smem:$0x3F9F] =	sst s1;
	(tag) =	ssettag s2;
	_ =	strace s9  }
0x27: {  	s1 =	sld [smem:$0x3FAF]  }
0x28: {  	s2 =	sld [smem:$0x3FB0]  }
0x29: {  	s4 =	sld [smem:$0x3FB2]  }
0x2a: {  	p0 =	seq.s32 s5, $0x0;
	s5 =	sld [smem:$0x3FB3]  }
0x2b: {  	s6 =	sld [smem:$0x3FB4]  }
0x2c: {  	s7 =	sld [smem:$0x3FB5]  }
0x2d: {  	s3 =	simm.s32 $0x108;
	s8 =	sld [smem:$0x3FB6]  }
0x2e: {  	s3 =	simm.s32 @!p0 $0x1082;
	s9 =	sld [smem:$0x3FB7]  }
0x2f: {  	lr =	sadd.s32 s0, s3;
	s0 =	sld [smem:$0x3FAE]  }
0x30: {  	s3 =	sld [smem:$0x3FB1]  }
0x31: {  	[smem:$0x3FBA] =	sst s10  }
0x32: {  	s10 =	sld [smem:$0x3FB8];
	_ =	sdelay $0x3  }
0x33: {  	p0 =	seq.s32 s10, $0x1;
	s10 =	sld [smem:$0x3FBA];
	_ =	sdelay $0x3  }
0x34: {  	[smem:$0x3FBA] =	sst s10  }
0x35: {  	s10 =	sld [smem:$0x3FB9];
	_ =	sdelay $0x3  }
0x36: {  	p1 =	seq.s32 s10, $0x1;
	s10 =	sld [smem:$0x3FBA];
	_ =	sdelay $0x3  }
0x37: {  	[smem:$0x3FBA] =	sst s10  }
0x38: {  	s10 =	sld [smem:$0x3FBB]  }
0x39: {  	_ = 	snop;
	(pc) =	sbr.ind lr, $3  }
0x3a: {  	_ = 	snop  }
0x3b: {  	_ = 	snop  }
0x3c: {  	p2 =	seq.s32 s10, $0x1;
	s10 =	sld [smem:$0x3FBA]  }
0x3d: {  	_ =	shalt  }
0x3e: {  	_ =	shalt  }
0x3f: {  	_ =	shalt  }
0x40: {  	_ =	shalt  }
0x41: {  	_ =	shalt  }
0x42: {  	_ =	shalt  }
0x43: {  	_ =	shalt  }
0x44: {  	_ =	shalt  }
0x45: {  	_ =	shalt  }
0x46: {  	_ =	shalt  }
0x47: {  	_ =	shalt  }
0x48: {  	_ =	shalt  }
0x49: {  	_ =	shalt  }
0x4a: {  	_ =	shalt  }
0x4b: {  	_ =	shalt  }
0x4c: {  	_ =	shalt  }
0x4d: {  	_ =	shalt  }
0x4e: {  	_ =	shalt  }
0x4f: {  	_ =	shalt  }
0x50: {  	_ =	shalt  }
0x51: {  	_ =	shalt  }
0x52: {  	_ =	shalt  }
0x53: {  	_ =	shalt  }
0x54: {  	_ =	shalt  }
0x55: {  	_ =	shalt  }
0x56: {  	_ =	shalt  }
0x57: {  	_ =	shalt  }
0x58: {  	_ =	shalt  }
0x59: {  	_ =	shalt  }
0x5a: {  	_ =	shalt  }
0x5b: {  	_ =	shalt  }
0x5c: {  	_ =	shalt  }
0x5d: {  	_ =	shalt  }
0x5e: {  	_ =	shalt  }
0x5f: {  	_ =	shalt  }
0x60: {  	_ =	shalt  }
0x61: {  	_ =	shalt  }
0x62: {  	_ =	shalt  }
0x63: {  	_ =	shalt  }
0x64: {  	_ =	shalt  }
0x65: {  	_ =	shalt  }
0x66: {  	_ =	shalt  }
0x67: {  	_ =	shalt  }
0x68: {  	_ =	shalt  }
0x69: {  	_ =	shalt  }
0x6a: {  	_ =	shalt  }
0x6b: {  	_ =	shalt  }
0x6c: {  	_ =	shalt  }
0x6d: {  	_ =	shalt  }
0x6e: {  	_ =	shalt  }
0x6f: {  	_ =	shalt  }
0x70: {  	_ =	shalt  }
0x71: {  	_ =	shalt  }
0x72: {  	_ =	shalt  }
0x73: {  	_ =	shalt  }
0x74: {  	_ =	shalt  }
0x75: {  	_ =	shalt  }
0x76: {  	_ =	shalt  }
0x77: {  	_ =	shalt  }
0x78: {  	_ =	shalt  }
0x79: {  	_ =	shalt  }
0x7a: {  	_ =	shalt  }
0x7b: {  	_ =	shalt  }
0x7c: {  	_ =	shalt  }
0x7d: {  	_ =	shalt  }
0x7e: {  	_ =	shalt  }
0x7f: {  	_ =	shalt  }
0x80: {  	_ =	shalt  }
0x81: {  	_ =	shalt  }
0x82: {  	_ =	shalt  }
0x83: {  	_ =	shalt  }
0x84: {  	_ =	shalt  }
0x85: {  	_ =	shalt  }
0x86: {  	_ =	shalt  }
0x87: {  	_ =	shalt  }
.Lfunc_end0:
.L_simem_size_0:
called_computation_lowered:
.L_overlay_start_0:
0x88: {  	s2 =	sld [smem:$0x3FD9]  }
0x89: {  	s3 =	sld [smem:$0x3FFE];
	_ =	sdelay $0x1  }
0x8a: {  	s1 =	srdreg.scid  }
0x8b: {  	s0 =	sand.u32 $0x1, s1  }
0x8c: {  	s17 =	sshll.u32 s0, $0xA;
	s2 =	sadd.s32 s3, s2  }
0x8d: {  	s2 =	sadd.s32 s2, s17  }
0x8e: {  	[smem:$0x3FC6] =	sst s2  }
0x8f: {  	_ = 	snop  }
0x90: {  	s2 =	sld [smem:$0x3FC9]  }
0x91: {  	s18 =	sld [smem:$0x3FD0];
	(tm) =	ssettm $0x1  }
0x92: {  	s4 =	sld [smem:$0x3FFB];
	_ =	sdelay $0x3  }
0x93: {  	_ =	strace s4  }
0x94: {  	s4 =	sld [smem:$0x3FFC];
	_ =	sdelay $0x3  }
0x95: {  	_ =	strace s4  }
0x96: {  	s4 =	sld [smem:$0x3FFD];
	_ =	sdelay $0x3  }
0x97: {  	_ =	strace s4  }
0x98: {  	_ =	strace $0x8FFFFFFF  }
0x99: {  	s19 =	sld [smem:$0x3FDB];
	_ =	sdelay $0x1  }
0x9a: {  	s5 =	simm.s32 $_scs_section_size  }
0x9b: {  	s6 =	simm.s32 $_size__tile_overlayer_lowered;
	s7 =	simm.s32 $_tile_overlayer_lowered  }
0x9c: {  	s22 =	simm.s32 $0x1BFF;
	s21 =	sshll.u32 s7, $0x1;
	s4 =	sadd.s32 s5, s19  }
0x9d: {  	s8 =	simm.s32 $0x0;
	s20 =	sshll.u32 s6, $0x1;
	s6 =	sadd.s32 s21, s4  }
0x9e: {  	[timem:s8], [sflag:s22] =	dma.local [hbm:s6], s20  }
0x9f: {  	_ =	swait.ge [sflag:s22], s20  }
0xa0: {  	s5 =	ssub.s32 $0x0, s20;
	[sflag:s22] =	ssyncset.done $0x0  }
0xa1: {  	[sflag:s22] =	ssyncadd.s32 s5;
	_ =	sdelay $0x1  }
0xa2: {  	s23 =	simm.s32 $0x1B8B  }
0xa3: {  	_ =	swait.ge [sflag:s23], $0x1  }
0xa4: {  	[sflag:s23] =	ssyncset.done $0x0  }
0xa5: {  	s25 =	simm.s32 $0x1B8E;
	s24 =	sld [smem:$0x3FFE];
	[sflag:s23] =	ssyncadd.s32 $0xFFFFFFFF  }
0xa6: {  	s26 =	simm.s32 $execute0_lowered;
	[smem:$0x3FD2] =	sst s25  }
0xa7: {  	s6 =	sshll.u32 s26, $0x1;
	_ =	strace $0x80000046;
	[dreg:$0x1] =	wrdreg $0xFFFFFFFF  }
0xa8: {  	s28 =	simm.s32 $_size_execute0_lowered;
	s4 =	sadd.s32 s4, s6;
	[dreg:$0x0] =	wrdreg $0x0  }
0xa9: {  	s6 =	sshll.u32 s28, $0x1;
	[dreg:$0x2] =	wrdreg s4  }
0xaa: {  	[dreg:$0x3] =	wrdreg s6  }
0xab: {  	[dreg:$0x4] =	wrdreg $0xC0  }
0xac: {  	_ =	task [dreg:s8], $0x5FFFF  }
0xad: {  	[dreg:$0x1] =	wrdreg $0xFFFFFFFF  }
0xae: {  	[dreg:$0x0] =	wrdreg $0x60  }
0xaf: {  	[dreg:$0x2] =	wrdreg s2  }
0xb0: {  	[dreg:$0x3] =	wrdreg s24  }
0xb1: {  	[dreg:$0x4] =	wrdreg s18  }
0xb2: {  	[dreg:$0x5] =	wrdreg $0x9  }
0xb3: {  	_ =	task.clear_ibuf [dreg:s8], $0x6FFFF;
	_ =	strace $0x90000046  }
0xb4: {  	s29 =	simm.s32 $0x9;
	_ =	strace $0x80000048  }
0xb5: {  	_ =	swait.ge [sflag:s29], $0x1  }
0xb6: {  	[sflag:s29] =	ssyncadd.s32 $0xFFFFFFFF  }
0xb7: {  	_ =	strace $0x90000048  }
0xb8: {  	_ =	sfence  }
0xb9: {  	s30 =	sld [smem:$0x0];
	_ =	sdelay $0x2  }
0xba: {  	s31 =	sshll.u32 s1, $0xD;
	s1 =	sshrl.u32 s1, $0x2  }
0xbb: {  	s3 =	sand.u32 $0x4000, s31;
	s1 =	sadd.s32 s1, s30  }
0xbc: {  	s0 =	sor.u32 s3, s0;
	s1 =	sshll.u32 s1, $0x11  }
0xbd: {  	s0 =	sor.u32 s1, s0  }
0xbe: {  	s0 =	sadd.s32 $0x8F2B, s0  }
0xbf: {  	[sflag:s0] =	ssyncadd.remote.s32 $0x1  }
0xc0: {  	_ =	sfence.sel $0xFFFF  }
0xc1: {  	[dreg:$0x0] =	wrdreg $0xFFFFFFFF;
	(pc) =	sbr.abs _section_cstart, $3  }
0xc2: {  	[dreg:$0x1] =	wrdreg $0xFFFFFFFF  }
0xc3: {  	_ =	task.clear_ibuf [dreg:s8], $0x2FFFF;
	_ =	strace $0x9FFFFFFF  }
0xc4: {  	(tm) =	ssettm $0x7FFFFFFF  }
0xc5: {  	_ =	shalt  }
tec
execute0_lowered:
.L_overlay_start_1:
0x0: {  	(tag) =	ssettag $0x1  }
0x1: {  	s1 =	rddreg [dreg:$0x0]  }
0x2: {  	s0 =	srdreg.scid;
	s3 =	rddreg [dreg:$0x1]  }
0x3: {  	s6 =	stileid.u32;
	s7 =	rddreg [dreg:$0x2];
	s22 =	simm.s32 $0x0  }
0x4: {  	s11 =	simm.s32 $0x9;
	s12 =	simm.s32 $0x100;
	s13 =	simm.s32 $0x6400  }
0x5: {  	s14 =	simm.s32 $0xA400;
	s16 =	simm.s32 $0xE400;
	s17 =	simm.s32 $0x1  }
0x6: {  	s18 =	simm.s32 $0x40;
	s19 =	simm.s32 $0x80;
	s20 =	simm.s32 $0x12400  }
0x7: {  	s21 =	simm.s32 $0x2;
	s28 =	simm.s32 $0x0;
	s0 =	sand.u32 $0x1, s0  }
0x8: {  	s2 =	sshll.u32 s6, $0x1;
	s6 =	smul.u32 $0x640000, s6;
	[smem:$0x7FF] =	sst s22  }
0x9: {  	s4 =	sor.u32 s0, s2;
	s8 =	ssub.s32 $0x2, s0;
	s0 =	smul.u32 $0x320000, s0  }
0xa: {  	s3 =	sadd.s32 $0xF42800, s3;
	s22 =	simm.s32 $0x4;
	s5 =	smul.u32 $0xC80, s4  }
0xb: {  	_ =	strace $0x80000047;
	s9 =	sshrl.u32 s8, $0x1;
	s10 =	smul.u32 $0x320000, s4  }
0xc: {  	s8 =	ssub.s32 s8, s9;
	s0 =	sadd.s32 s0, s6;
	s1 =	sadd.s32 s1, s5  }
0xd: {  	s23 =	sshrl.u32 s10, $0x3;
	s6 =	sor.u32 $0x10000, s0;
	s24 =	smax.u32 s8, $0x1  }
0xe: {  	s29 =	sor.u32 $0x8000, s0;
	s30 =	sshrl.u32 s0, $0x3;
	[dreg:$0x4] =	wrdreg s1  }
0xf: {  	s0 =	sor.u32 $0x18000, s0;
	[dreg:$0x5] =	wrdreg s24;
	s1 =	sadd.s32 s7, s23  }
.Ltmp0:
0x10: {  	s25 =	sshrl.u32 s6, $0x3;
	s8 =	sshrl.u32 s29, $0x3;
	(pc) =	sbr.rel .LBB2_1-.Ltmp0, $4  }
0x11: {  	s9 =	sadd.s32 s30, s7;
	s0 =	sshrl.u32 s0, $0x3;
	s23 =	simm.s32 $0x5  }
0x12: {  	s24 =	simm.s32 $0x6;
	s6 =	sadd.s32 $0x62000, s1;
	s26 =	sadd.s32 s25, s7  }
0x13: {  	s31 =	sadd.s32 s8, s7;
	s10 =	sadd.s32 s0, s7;
	[dreg:$0x6] =	wrdreg s26  }
0x14: {  	s25 =	simm.s32 $0x7;
	[dreg:$0x7] =	wrdreg s31;
	s26 =	simm.s32 $0x8  }
.LBB2_4:
0x15: {  	_ =	swait.ge [sflag:s23], $0x4000  }
0x16: {  	[sflag:s23] =	ssyncset.done $0x0  }
0x17: {  	[sflag:s23] =	ssyncadd.s32 $0xFFFFC000  }
0x18: {  	_ =	swait.ge [sflag:s24], $0x4000  }
0x19: {  	[sflag:s24] =	ssyncset.done $0x0  }
0x1a: {  	[sflag:s24] =	ssyncadd.s32 $0xFFFFC000  }
0x1b: {  	_ =	swait.ge [sflag:s25], $0x4000  }
0x1c: {  	[sflag:s25] =	ssyncset.done $0x0  }
0x1d: {  	[sflag:s25] =	ssyncadd.s32 $0xFFFFC000  }
0x1e: {  	_ =	swait.ge [sflag:s26], $0x4000  }
0x1f: {  	s28 =	sadd.s32 $0x1, s28;
	s0 =	rddreg [dreg:$0x5]  }
0x20: {  	p0 =	sne.s32 s28, s0  }
.Ltmp1:
0x21: {  	_ = 	snop;
	(pc) =	sbr.rel @!p0 .LBB2_5-.Ltmp1, $3  }
0x22: {  	_ =	sdelay $0x1  }
0x23: {  	[sflag:s26] =	ssyncset.done $0x0  }
0x24: {  	[sflag:s26] =	ssyncadd.s32 $0xFFFFC000  }
.LBB2_1:
0x25: {  	s0 =	simm.s32 $0x0;
	s1 =	rddreg [dreg:$0x4]  }
0x26: {  	[tilespmem:s0], [sflag:$0x9] =	stream.linear.gather [hbm4b:s1+s0], $0x6400, $0x38;
	[tilespmem:$0x16400] =	vst v63  }
0x27: {  	_ =	swait.ge [sflag:s11], $0x6400  }
0x28: {  	[sflag:s11] =	ssyncset.done $0x0  }
0x29: {  	[sflag:s11] =	ssyncadd.s32 $0xFFFF9C00  }
0x2a: {  	[tilespmem:s13], [sflag:$0x1] =	stream.indirect.gather [hbm4b:s3+s12], $0x40, s0, s12, $0xb8;
	[tilespmem:$0x16400] =	vst v63  }
0x2b: {  	s15 =	simm.s32 $0x200;
	s29 =	smov.u32 s10;
	s31 =	rddreg [dreg:$0x7]  }
0x2c: {  	[tilespmem:s14], [sflag:$0x2] =	stream.indirect.gather [hbm4b:s3+s12], $0x40, s12, s12, $0xb8;
	[tilespmem:$0x16400] =	vst v63  }
0x2d: {  	s30 =	smov.u32 s9;
	s7 =	rddreg [dreg:$0x6];
	s0 =	simm.s32 $0x0  }
0x2e: {  	[tilespmem:s16], [sflag:$0x3] =	stream.indirect.gather [hbm4b:s3+s12], $0x40, s15, s12, $0xb8;
	[tilespmem:$0x16400] =	vst v63  }
.LBB2_2:
0x2f: {  	_ =	swait.ge [sflag:s17], $0x4000  }
0x30: {  	p0 =	seq.s32 s0, $0x0;
	[sflag:s17] =	ssyncset.done $0x0  }
0x31: {  	s2 =	simm.s32 @!p0 $0x8;
	[sflag:s17] =	ssyncadd.s32 $0xFFFFC000  }
0x32: {  	[hbm4b:s30+s18] =	stream.strided.scatter [tilespmem:s13], [sflag:$0x5], $0x4000, s19, s18, $0x38;
	[tilespmem:$0x16400] =	vst v63  }
0x33: {  	_ =	swait.ge @!p0 [sflag:s2], $0x4000  }
0x34: {  	s15 =	sshra.s32 s0, $0x2;
	[sflag:s2] =	ssyncset.done @!p0 $0x0  }
0x35: {  	s8 =	sadd.s32 $0x300, s15;
	[sflag:s2] =	ssyncadd.s32 @!p0 $0xFFFFC000  }
0x36: {  	[tilespmem:s20], [sflag:$0x4] =	stream.indirect.gather [hbm4b:s3+s12], $0x40, s8, s12, $0xb8;
	[tilespmem:$0x16400] =	vst v63  }
0x37: {  	_ =	swait.ge [sflag:s21], $0x4000  }
0x38: {  	p0 =	seq.s32 s0, $0x18000;
	[sflag:s21] =	ssyncset.done $0x0  }
0x39: {  	s2 =	simm.s32 @p0 $0x3;
	[sflag:s21] =	ssyncadd.s32 $0xFFFFC000  }
0x3a: {  	[hbm4b:s31+s18] =	stream.strided.scatter [tilespmem:s14], [sflag:$0x6], $0x4000, s19, s18, $0x38;
	[tilespmem:$0x16400] =	vst v63  }
0x3b: {  	_ =	swait.ge @p0 [sflag:s2], $0x4000  }
0x3c: {  	s4 =	simm.s32 @p0 $0x80;
	[sflag:s2] =	ssyncset.done @p0 $0x0  }
0x3d: {  	s5 =	simm.s32 @p0 $0xE400;
	[sflag:s2] =	ssyncadd.s32 @p0 $0xFFFFC000;
	s2 =	simm.s32 @p0 $0x40  }
0x3e: {  	[hbm4b:s6+s2] =	stream.strided.scatter @p0 [tilespmem:s5], [sflag:$0x7], $0x4000, s4, s2, $0x38;
	[tilespmem:$0x16400] =	vst v63  }
0x3f: {  	s2 =	simm.s32 @!p0 $0x5  }
0x40: {  	_ =	swait.ge @!p0 [sflag:s2], $0x4000  }
0x41: {  	[sflag:s2] =	ssyncset.done @!p0 $0x0  }
0x42: {  	[sflag:s2] =	ssyncadd.s32 @!p0 $0xFFFFC000;
	s2 =	sshra.s32 @!p0 s0, $0x2  }
0x43: {  	s1 =	simm.s32 @!p0 $0x6400;
	s5 =	simm.s32 @!p0 $0x100;
	s4 =	sadd.s32 @!p0 $0x400, s2  }
0x44: {  	[tilespmem:s1], [sflag:$0x1] =	stream.indirect.gather @!p0 [hbm4b:s3+s5], $0x40, s4, s5, $0xb8;
	[tilespmem:$0x16400] =	vst v63  }
0x45: {  	s1 =	simm.s32 @!p0 $0x3  }
0x46: {  	_ =	swait.ge @!p0 [sflag:s1], $0x4000  }
0x47: {  	s8 =	simm.s32 @!p0 $0xE400;
	[sflag:s1] =	ssyncset.done @!p0 $0x0  }
0x48: {  	s4 =	simm.s32 @!p0 $0x80;
	[sflag:s1] =	ssyncadd.s32 @!p0 $0xFFFFC000;
	s1 =	simm.s32 @!p0 $0x40  }
0x49: {  	[hbm4b:s7+s1] =	stream.strided.scatter @!p0 [tilespmem:s8], [sflag:$0x7], $0x4000, s4, s1, $0x38;
	[tilespmem:$0x16400] =	vst v63  }
0x4a: {  	s1 =	simm.s32 @!p0 $0x6  }
0x4b: {  	_ =	swait.ge @!p0 [sflag:s1], $0x4000  }
0x4c: {  	[sflag:s1] =	ssyncset.done @!p0 $0x0  }
0x4d: {  	[sflag:s1] =	ssyncadd.s32 @!p0 $0xFFFFC000;
	s1 =	sadd.s32 @!p0 $0x500, s2;
	s2 =	simm.s32 @!p0 $0xA400  }
0x4e: {  	[tilespmem:s2], [sflag:$0x2] =	stream.indirect.gather @!p0 [hbm4b:s3+s5], $0x40, s1, s5, $0xb8;
	[tilespmem:$0x16400] =	vst v63  }
.Ltmp2:
0x4f: {  	_ = 	snop;
	(pc) =	sbr.rel @p0 .LBB2_4-.Ltmp2, $4  }
0x50: {  	_ =	swait.ge [sflag:s22], $0x4000  }
0x51: {  	[sflag:s22] =	ssyncset.done $0x0  }
0x52: {  	[sflag:s22] =	ssyncadd.s32 $0xFFFFC000  }
0x53: {  	[hbm4b:s29+s18] =	stream.strided.scatter [tilespmem:s20], [sflag:$0x8], $0x4000, s19, s18, $0x38;
	[tilespmem:$0x16400] =	vst v63  }
.Ltmp3:
0x54: {  	(pc) =	sbr.rel .LBB2_2-.Ltmp3, $4  }
0x55: {  	_ =	swait.ge [sflag:s25], $0x4000;
	s1 =	sadd.s32 $0x600, s15;
	s0 =	sadd.s32 $0x1000, s0  }
0x56: {  	s7 =	sadd.s32 $0x4000, s7;
	s31 =	sadd.s32 $0x4000, s31;
	[sflag:s25] =	ssyncset.done $0x0  }
0x57: {  	s30 =	sadd.s32 $0x4000, s30;
	s29 =	sadd.s32 $0x4000, s29;
	[sflag:s25] =	ssyncadd.s32 $0xFFFFC000  }
0x58: {  	[tilespmem:s16], [sflag:$0x3] =	stream.indirect.gather [hbm4b:s3+s12], $0x40, s1, s12, $0xb8;
	[tilespmem:$0x16400] =	vst v63  }
.LBB2_5:
0x59: {  	_ =	sfence.sel $0x180000  }
0x5a: {  	[bflag:$0x0] =	sbarrier.arrive $0xFFFF  }
0x5b: {  	_ =	strace $0x90000047  }
0x5c: {  	s0 =	stileid.u32;
	[bflag:$0x2] =	sbarrier.arrive $0xFFFF  }
0x5d: {  	p0 =	sne.s32 s0, $0x0;
	s0 =	rddreg [dreg:$0x3]  }
0x5e: {  	s0 =	sadd.s32 @!p0 $0x100000, s0  }
0x5f: {  	[sflag:s0] =	ssyncadd.tile.s32 @!p0 $0x1;
	_ =	shalt  }
.Lfunc_end2:
_tile_overlayer_lowered:
.L_overlay_start_2:
0x60: {  	(tag) =	ssettag $0x2  }
0x61: {  	s0 =	rddreg [dreg:$0x0];
	s2 =	stileid.u32  }
0x62: {  	s1 =	rddreg [dreg:$0x1];
	p0 =	sne.s32 s2, $0x0  }
0x63: {  	s3 =	rddreg [dreg:$0x2];
	[bflag:$0x3] =	sbarrier.arrive $0xFFFF;
	s2 =	simm.s32 @!p0 $0x1C09  }
0x64: {  	[timem:s3], [sflag:s2] =	dma.local @!p0 [hbm:s0], s1  }
0x65: {  	s0 =	simm.s32 @!p0 $0x9  }
0x66: {  	_ =	swait.ge @!p0 [sflag:s0], s1  }
0x67: {  	s1 =	ssub.s32 @!p0 $0x0, s1;
	[sflag:s0] =	ssyncset.done @!p0 $0x0  }
0x68: {  	[sflag:s0] =	ssyncadd.s32 @!p0 s1  }
0x69: {  	[bflag:$0x3] =	sbarrier.arrive $0xFFFF  }
0x6a: {  	_ =	shalt  }

</sc_bundles>
